<compile_context>
chip_gen: v7x
topology: tpu7x:2x2x1
jax: 0.10.2.dev20260603
libtpu: 0.0.44.dev20260713+nightly
codegen_flags: <defaults>
</compile_context>

<pallas_src>
import functools

import jax
import jax.numpy as jnp
from jax import lax
from jax.experimental import pallas as pl
from jax.experimental.pallas import tpu as pltpu
from jax.experimental.pallas import tpu_sc as plsc

_D = 128
_C = 16
_V = 4096
_NVAR = 10000
_NGENE = 20000
_L = 16
_NW = 32
_D_PER_W = _D // _NW
_VH = _V // 2


def _sc_gather(genotypes, sel, baseline_log, g2g):
    mesh = plsc.VectorSubcoreMesh(core_axis_name="core", subcore_axis_name="sub")

    @functools.partial(
        pl.kernel,
        out_type=(
            jax.ShapeDtypeStruct((_D, _V), jnp.float32),
            jax.ShapeDtypeStruct((_C, _V), jnp.float32),
        ),
        mesh=mesh,
        compiler_params=pltpu.CompilerParams(needs_layout_passes=False),
        scratch_types=[
            pltpu.VMEM((_NVAR,), jnp.float32),
            pltpu.VMEM((_NVAR,), jnp.float32),
            pltpu.VMEM((_NGENE,), jnp.float32),
            pltpu.VMEM((_V,), jnp.int32),
            pltpu.VMEM((_VH,), jnp.int32),
            pltpu.VMEM((_V,), jnp.float32),
            pltpu.VMEM((_V,), jnp.float32),
            pltpu.VMEM((_VH,), jnp.float32),
            pltpu.SemaphoreType.DMA,
            pltpu.SemaphoreType.DMA,
            pltpu.SemaphoreType.DMA,
            pltpu.SemaphoreType.DMA,
            pltpu.SemaphoreType.DMA,
            pltpu.SemaphoreType.DMA,
            pltpu.SemaphoreType.DMA,
        ],
    )
    def body(gen_hbm, sel_hbm, base_hbm, g2g_hbm, gg_hbm, bg_hbm,
             grow0, grow1, brow_v, sel_v, g2g_v, gout0, gout1, bout_v,
             sem_sel, sem_row0, sem_row1, sem_bl, sem_g2g, sem_go0, sem_go1):
        wid = lax.axis_index("sub") * 2 + lax.axis_index("core")
        d0 = wid * _D_PER_W
        c = wid % _C
        half = wid // _C

        cp_sel = pltpu.async_copy(sel_hbm, sel_v, sem_sel)
        cp_bl = pltpu.async_copy(base_hbm.at[c], brow_v, sem_bl)
        cp_g2g = pltpu.async_copy(g2g_hbm.at[pl.ds(half * _VH, _VH)], g2g_v, sem_g2g)

        rows = (grow0, grow1)
        row_sems = (sem_row0, sem_row1)
        gouts = (gout0, gout1)
        go_sems = (sem_go0, sem_go1)

        cur = pltpu.async_copy(gen_hbm.at[d0], grow0, sem_row0)
        cp_sel.wait()
        out_cps = [None, None]
        for j in range(_D_PER_W):
            if j + 1 < _D_PER_W:
                nxt = pltpu.async_copy(gen_hbm.at[d0 + j + 1],
                                       rows[(j + 1) % 2], row_sems[(j + 1) % 2])
            cur.wait()
            row = rows[j % 2]
            gout = gouts[j % 2]
            if out_cps[j % 2] is not None:
                out_cps[j % 2].wait()

            @plsc.parallel_loop(0, _V // _L, unroll=8)
            def gbody(i):
                off = pl.multiple_of(i * _L, _L)
                idx = sel_v[pl.ds(off, _L)]
                gout[pl.ds(off, _L)] = plsc.load_gather(row, [idx])

            out_cps[j % 2] = pltpu.async_copy(gout, gg_hbm.at[d0 + j], go_sems[j % 2])
            if j + 1 < _D_PER_W:
                cur = nxt

        cp_g2g.wait()
        cp_bl.wait()

        @plsc.parallel_loop(0, _VH // _L, unroll=8)
        def bbody(i):
            off = pl.multiple_of(i * _L, _L)
            idx = g2g_v[pl.ds(off, _L)]
            bout_v[pl.ds(off, _L)] = plsc.load_gather(brow_v, [idx])

        pltpu.sync_copy(bout_v, bg_hbm.at[c, pl.ds(half * _VH, _VH)])
        for cp in out_cps:
            if cp is not None:
                cp.wait()

    return body(genotypes, sel, baseline_log, g2g)


_DBLK = 32


def _tc_dense_body(gg_ref, bg_hbm, fc_hbm, lib_ref, out_ref, bg_v, fc_v, sem):
    @pl.when(pl.program_id(0) == 0)
    def _():
        pltpu.async_copy(bg_hbm, bg_v, sem).wait()
        pltpu.async_copy(fc_hbm, fc_v, sem).wait()

    g = gg_ref[:][:, None, :]
    loglib = jnp.log(lib_ref[:])
    e = bg_v[:][None, :, :] + g * fc_v[:][None, :, :] + loglib[:, :, None]
    out_ref[:] = jnp.exp(e)


def _tc_dense(gg, bg, fc, lib):
    return pl.pallas_call(
        _tc_dense_body,
        grid=(_D // _DBLK,),
        in_specs=[
            pl.BlockSpec((_DBLK, _V), lambda i: (i, 0)),
            pl.BlockSpec(memory_space=pl.ANY),
            pl.BlockSpec(memory_space=pl.ANY),
            pl.BlockSpec((_DBLK, _C), lambda i: (i, 0)),
        ],
        out_specs=pl.BlockSpec((_DBLK, _C, _V), lambda i: (i, 0, 0)),
        out_shape=jax.ShapeDtypeStruct((_D, _C, _V), jnp.float32),
        scratch_shapes=[
            pltpu.VMEM((_C, _V), jnp.float32),
            pltpu.VMEM((_C, _V), jnp.float32),
            pltpu.SemaphoreType.DMA,
        ],
    )(gg, bg, fc, lib)


def kernel(fc_log, genotypes, expression_obs, variantxgene_to_gene,
           local_variant_to_local_variantxgene_selector, variantxgene_to_local_gene,
           lib, baseline_log, dispersion_log):
    gg, bg = _sc_gather(genotypes, local_variant_to_local_variantxgene_selector,
                        baseline_log, variantxgene_to_gene)
    return _tc_dense(gg, bg, fc_log, lib)

# --- scband reference (transcript-rebuilt; emitter-appended) ---
"""Pipeline reference for scband-expression-predictor-16673063043580 (READ-ONLY COPY).

The authoritative reference and input builder live on the scoring server;
editing this copy changes nothing except your own understanding.
"""

import jax, jax.numpy as jnp
import numpy as np
from jax.scipy.special import gammaln

N_DONORS = 128
N_CLUSTERS = 16
N_GENES = 20000
N_VARIANTS = 10000
N_VXG = 4096
N_LOCAL_GENES = 4000
EPS = 1e-08


def setup_inputs(seed: int = 0) -> dict:
    key = jax.random.key(seed)
    ks = jax.random.split(key, 9)
    fc_log = jax.random.normal(ks[0], (N_CLUSTERS, N_VXG), dtype=jnp.float32)
    genotypes = jax.random.uniform(ks[1], (N_DONORS, N_VARIANTS), dtype=jnp.float32)
    expression_obs = jax.random.randint(ks[2], (N_DONORS, N_CLUSTERS, N_LOCAL_GENES), 0, 50).astype(jnp.float32)
    variantxgene_to_gene = jax.random.randint(ks[3], (N_VXG,), 0, N_GENES, dtype=jnp.int32)
    local_variant_to_local_variantxgene_selector = jax.random.randint(ks[4], (N_VXG,), 0, N_VARIANTS, dtype=jnp.int32)
    variantxgene_to_local_gene = jax.random.randint(ks[5], (N_VXG,), 0, N_LOCAL_GENES, dtype=jnp.int32)
    # init-time buffers (registered buffers of the torch module)
    lib = jax.random.uniform(ks[6], (N_DONORS, N_CLUSTERS), dtype=jnp.float32)
    baseline_log = jax.random.normal(ks[7], (N_CLUSTERS, N_GENES), dtype=jnp.float32)
    dispersion_log = jax.random.normal(ks[8], (N_CLUSTERS, N_GENES), dtype=jnp.float32)
    return {
        "fc_log": fc_log,
        "genotypes": genotypes,
        "expression_obs": expression_obs,
        "variantxgene_to_gene": variantxgene_to_gene,
        "local_variant_to_local_variantxgene_selector": local_variant_to_local_variantxgene_selector,
        "variantxgene_to_local_gene": variantxgene_to_local_gene,
        "lib": lib,
        "baseline_log": baseline_log,
        "dispersion_log": dispersion_log,
    }


def _nb2_log_prob(mu, dispersion, value):
    # NegativeBinomial2: clamp dispersion, derive torch-style (total_count, logits)
    dispersion = jnp.minimum(dispersion, 20.0)
    total_count = 1.0 / dispersion
    logits = jnp.log(mu + EPS) - jnp.log(1.0 / dispersion + EPS)
    # torch.distributions.NegativeBinomial.log_prob
    log_unnormalized = total_count * jax.nn.log_sigmoid(-logits) + value * jax.nn.log_sigmoid(logits)
    log_norm = -gammaln(total_count + value) + gammaln(1.0 + value) + gammaln(total_count)
    return log_unnormalized - log_norm


def reference(fc_log, genotypes, expression_obs, variantxgene_to_gene,
              local_variant_to_local_variantxgene_selector, variantxgene_to_local_gene,
              lib, baseline_log, dispersion_log):
    # gather variant columns -> variantxgene columns
    g = jnp.take(genotypes, local_variant_to_local_variantxgene_selector, axis=1)  # [D, VXG]
    expression_delta = g[:, None, :] * fc_log[None, :, :]  # [D, C, VXG]
    base = jnp.take(baseline_log, variantxgene_to_gene, axis=1)  # [C, VXG]
    expression_log = base[None, :, :] + expression_delta
    expression = jnp.exp(expression_log)
    expressed = expression * lib[:, :, None]  # [D, C, VXG]
    dispersion = jnp.take(jnp.exp(dispersion_log), variantxgene_to_gene, axis=1)  # [C, VXG]
    obs = jnp.take(expression_obs, variantxgene_to_local_gene, axis=2)  # [D, C, VXG]
    expression_likelihood = _nb2_log_prob(expressed, dispersion[None, :, :], obs)
    elbo = -expression_likelihood  # tracked side-output in the torch module
    del elbo
    return expressed

if __name__ == "__main__":
    import jax
    _d = setup_inputs()
    print(jax.jit(kernel)(*tuple(_d.values())))

</pallas_src>

<mosaic_0001>
#map = affine_map<(d0, d1) -> (0, 0)>
#map1 = affine_map<(d0, d1) -> (0)>
module attributes {stable_mosaic.version = 14 : i64} {
  func.func @body(%arg0: i32, %arg1: i32, %arg2: memref<128x10000xf32, #tpu.memory_space<hbm>>, %arg3: memref<4096xi32, #tpu.memory_space<hbm>>, %arg4: memref<16x20000xf32, #tpu.memory_space<hbm>>, %arg5: memref<4096xi32, #tpu.memory_space<hbm>>, %arg6: memref<128x4096xf32, #tpu.memory_space<hbm>>, %arg7: memref<16x4096xf32, #tpu.memory_space<hbm>>, %arg8: memref<10000xf32, #tpu.memory_space<vmem>>, %arg9: memref<10000xf32, #tpu.memory_space<vmem>>, %arg10: memref<20000xf32, #tpu.memory_space<vmem>>, %arg11: memref<4096xi32, #tpu.memory_space<vmem>>, %arg12: memref<2048xi32, #tpu.memory_space<vmem>>, %arg13: memref<4096xf32, #tpu.memory_space<vmem>>, %arg14: memref<4096xf32, #tpu.memory_space<vmem>>, %arg15: memref<2048xf32, #tpu.memory_space<vmem>>, %arg16: memref<!tpu.dma_semaphore, #tpu.memory_space<semaphore_mem>>, %arg17: memref<!tpu.dma_semaphore, #tpu.memory_space<semaphore_mem>>, %arg18: memref<!tpu.dma_semaphore, #tpu.memory_space<semaphore_mem>>, %arg19: memref<!tpu.dma_semaphore, #tpu.memory_space<semaphore_mem>>, %arg20: memref<!tpu.dma_semaphore, #tpu.memory_space<semaphore_mem>>, %arg21: memref<!tpu.dma_semaphore, #tpu.memory_space<semaphore_mem>>, %arg22: memref<!tpu.dma_semaphore, #tpu.memory_space<semaphore_mem>>) attributes {dimension_semantics = [#tpu.dimension_semantics<core_parallel>, #tpu.dimension_semantics<subcore_parallel>], iteration_bounds = array<i64: 2, 16>, scalar_prefetch = 0 : i64, scratch_operands = 15 : i64, tpu.core_type = #tpu.core_type<sc_vector_subcore>, window_params = [{transform_indices = #map}, {transform_indices = #map1}, {transform_indices = #map}, {transform_indices = #map1}, {transform_indices = #map}, {transform_indices = #map}]} {
    %mul3A = arith.constant 2 : i32
    %mul3A_0 = arith.muli %arg1, %mul3A : i32
    %add3A = arith.addi %mul3A_0, %arg0 : i32
    %mul3A_1 = arith.constant 4 : i32
    %mul3A_2 = arith.muli %add3A, %mul3A_1 : i32
    %jit3A = arith.constant 16 : i32
    %eq3A = arith.constant 0 : i32
    %eq3A_3 = arith.cmpi eq, %jit3A, %eq3A : i32
    %jit3A_4 = arith.constant 1 : i32
    %select_n3A = arith.select %eq3A_3, %jit3A_4, %jit3A : i32
    %rem3A = arith.remsi %add3A, %select_n3A : i32
    %ne3A = arith.constant 0 : i32
    %ne3A_5 = arith.cmpi ne, %rem3A, %ne3A : i32
    %lt3A = arith.constant 0 : i32
    %lt3A_6 = arith.cmpi slt, %rem3A, %lt3A : i32
    %lt3A_7 = arith.constant 0 : i32
    %lt3A_8 = arith.cmpi slt, %select_n3A, %lt3A_7 : i32
    %ne3A_9 = arith.xori %lt3A_6, %lt3A_8 : i1
    %and3A = arith.andi %ne3A_9, %ne3A_5 : i1
    %add3A_10 = arith.addi %rem3A, %select_n3A : i32
    %select_n3A_11 = arith.select %and3A, %add3A_10, %rem3A : i32
    %jit3A_12 = arith.constant 16 : i32
    %div3A = arith.divsi %add3A, %jit3A_12 : i32
    %sign3A = arith.constant 0 : i32
    %sign3A_13 = arith.cmpi sgt, %add3A, %sign3A : i32
    %sign3A_14 = arith.extui %sign3A_13 : i1 to i32
    %sign3A_15 = arith.constant 0 : i32
    %sign3A_16 = arith.cmpi slt, %add3A, %sign3A_15 : i32
    %sign3A_17 = arith.extui %sign3A_16 : i1 to i32
    %sign3A_18 = arith.subi %sign3A_14, %sign3A_17 : i32
    %sign3A_19 = arith.constant 0 : i32
    %sign3A_20 = arith.cmpi sgt, %jit3A_12, %sign3A_19 : i32
    %sign3A_21 = arith.extui %sign3A_20 : i1 to i32
    %sign3A_22 = arith.constant 0 : i32
    %sign3A_23 = arith.cmpi slt, %jit3A_12, %sign3A_22 : i32
    %sign3A_24 = arith.extui %sign3A_23 : i1 to i32
    %sign3A_25 = arith.subi %sign3A_21, %sign3A_24 : i32
    %ne3A_26 = arith.cmpi ne, %sign3A_18, %sign3A_25 : i32
    %rem3A_27 = arith.remsi %add3A, %jit3A_12 : i32
    %ne3A_28 = arith.constant 0 : i32
    %ne3A_29 = arith.cmpi ne, %rem3A_27, %ne3A_28 : i32
    %and3A_30 = arith.andi %ne3A_26, %ne3A_29 : i1
    %sub3A = arith.constant 1 : i32
    %sub3A_31 = arith.subi %div3A, %sub3A : i32
    %select_n3A_32 = arith.select %and3A_30, %sub3A_31, %div3A : i32
    tpu.enqueue_dma source(%arg3 : memref<4096xi32, #tpu.memory_space<hbm>>) target(%arg11 : memref<4096xi32, #tpu.memory_space<vmem>>) target_semaphore(%arg16 : memref<!tpu.dma_semaphore, #tpu.memory_space<semaphore_mem>>)
    %dma_start3A = arith.constant 0 : i32
    %dma_start3A_33 = tpu.memref_slice %arg4[%select_n3A_11, %dma_start3A] : memref<16x20000xf32, #tpu.memory_space<hbm>> -> memref<1x20000xf32, #tpu.memory_space<hbm>>
    %dma_start3A_34 = tpu.memref_squeeze %dma_start3A_33 : memref<1x20000xf32, #tpu.memory_space<hbm>> -> memref<20000xf32, #tpu.memory_space<hbm>>
    %dma_start3A_35 = arith.constant 0 : i32
    %dma_start3A_36 = tpu.memref_slice %arg4[%select_n3A_11, %dma_start3A_35] : memref<16x20000xf32, #tpu.memory_space<hbm>> -> memref<1x20000xf32, #tpu.memory_space<hbm>>
    %dma_start3A_37 = tpu.memref_squeeze %dma_start3A_36 : memref<1x20000xf32, #tpu.memory_space<hbm>> -> memref<20000xf32, #tpu.memory_space<hbm>>
    tpu.enqueue_dma source(%dma_start3A_37 : memref<20000xf32, #tpu.memory_space<hbm>>) target(%arg10 : memref<20000xf32, #tpu.memory_space<vmem>>) target_semaphore(%arg19 : memref<!tpu.dma_semaphore, #tpu.memory_space<semaphore_mem>>)
    %mul3A_38 = arith.constant 2048 : i32
    %mul3A_39 = arith.muli %select_n3A_32, %mul3A_38 : i32
    %dma_start3A_40 = tpu.memref_slice %arg5[%mul3A_39] : memref<4096xi32, #tpu.memory_space<hbm>> -> memref<2048xi32, #tpu.memory_space<hbm>>
    %dma_start3A_41 = tpu.memref_slice %arg5[%mul3A_39] : memref<4096xi32, #tpu.memory_space<hbm>> -> memref<2048xi32, #tpu.memory_space<hbm>>
    tpu.enqueue_dma source(%dma_start3A_41 : memref<2048xi32, #tpu.memory_space<hbm>>) target(%arg12 : memref<2048xi32, #tpu.memory_space<vmem>>) target_semaphore(%arg20 : memref<!tpu.dma_semaphore, #tpu.memory_space<semaphore_mem>>)
    %dma_start3A_42 = arith.constant 0 : i32
    %dma_start3A_43 = tpu.memref_slice %arg2[%mul3A_2, %dma_start3A_42] : memref<128x10000xf32, #tpu.memory_space<hbm>> -> memref<1x10000xf32, #tpu.memory_space<hbm>>
    %dma_start3A_44 = tpu.memref_squeeze %dma_start3A_43 : memref<1x10000xf32, #tpu.memory_space<hbm>> -> memref<10000xf32, #tpu.memory_space<hbm>>
    %dma_start3A_45 = arith.constant 0 : i32
    %dma_start3A_46 = tpu.memref_slice %arg2[%mul3A_2, %dma_start3A_45] : memref<128x10000xf32, #tpu.memory_space<hbm>> -> memref<1x10000xf32, #tpu.memory_space<hbm>>
    %dma_start3A_47 = tpu.memref_squeeze %dma_start3A_46 : memref<1x10000xf32, #tpu.memory_space<hbm>> -> memref<10000xf32, #tpu.memory_space<hbm>>
    tpu.enqueue_dma source(%dma_start3A_47 : memref<10000xf32, #tpu.memory_space<hbm>>) target(%arg8 : memref<10000xf32, #tpu.memory_space<vmem>>) target_semaphore(%arg17 : memref<!tpu.dma_semaphore, #tpu.memory_space<semaphore_mem>>)
    tpu.wait_dma2 semaphore(%arg16 : memref<!tpu.dma_semaphore, #tpu.memory_space<semaphore_mem>>) src(%arg3 : memref<4096xi32, #tpu.memory_space<hbm>>) dst(%arg11 : memref<4096xi32, #tpu.memory_space<vmem>>)
    %add3A_48 = arith.constant 0 : i32
    %add3A_49 = arith.addi %mul3A_2, %add3A_48 : i32
    %add3A_50 = arith.constant 1 : i32
    %add3A_51 = arith.addi %add3A_49, %add3A_50 : i32
    %dma_start3A_52 = arith.constant 0 : i32
    %dma_start3A_53 = tpu.memref_slice %arg2[%add3A_51, %dma_start3A_52] : memref<128x10000xf32, #tpu.memory_space<hbm>> -> memref<1x10000xf32, #tpu.memory_space<hbm>>
    %dma_start3A_54 = tpu.memref_squeeze %dma_start3A_53 : memref<1x10000xf32, #tpu.memory_space<hbm>> -> memref<10000xf32, #tpu.memory_space<hbm>>
    %dma_start3A_55 = arith.constant 0 : i32
    %dma_start3A_56 = tpu.memref_slice %arg2[%add3A_51, %dma_start3A_55] : memref<128x10000xf32, #tpu.memory_space<hbm>> -> memref<1x10000xf32, #tpu.memory_space<hbm>>
    %dma_start3A_57 = tpu.memref_squeeze %dma_start3A_56 : memref<1x10000xf32, #tpu.memory_space<hbm>> -> memref<10000xf32, #tpu.memory_space<hbm>>
    tpu.enqueue_dma source(%dma_start3A_57 : memref<10000xf32, #tpu.memory_space<hbm>>) target(%arg9 : memref<10000xf32, #tpu.memory_space<vmem>>) target_semaphore(%arg18 : memref<!tpu.dma_semaphore, #tpu.memory_space<semaphore_mem>>)
    %dma_wait3A = arith.constant 0 : i32
    %dma_wait3A_58 = tpu.memref_slice %arg2[%mul3A_2, %dma_wait3A] : memref<128x10000xf32, #tpu.memory_space<hbm>> -> memref<1x10000xf32, #tpu.memory_space<hbm>>
    %dma_wait3A_59 = tpu.memref_squeeze %dma_wait3A_58 : memref<1x10000xf32, #tpu.memory_space<hbm>> -> memref<10000xf32, #tpu.memory_space<hbm>>
    %dma_wait3A_60 = arith.constant 0 : i32
    %dma_wait3A_61 = tpu.memref_slice %arg2[%mul3A_2, %dma_wait3A_60] : memref<128x10000xf32, #tpu.memory_space<hbm>> -> memref<1x10000xf32, #tpu.memory_space<hbm>>
    %dma_wait3A_62 = tpu.memref_squeeze %dma_wait3A_61 : memref<1x10000xf32, #tpu.memory_space<hbm>> -> memref<10000xf32, #tpu.memory_space<hbm>>
    tpu.wait_dma2 semaphore(%arg17 : memref<!tpu.dma_semaphore, #tpu.memory_space<semaphore_mem>>) src(%dma_wait3A_62 : memref<10000xf32, #tpu.memory_space<hbm>>) dst(%arg8 : memref<10000xf32, #tpu.memory_space<vmem>>)
    %parallel_loop3A = arith.constant 0 : i32
    %parallel_loop3A_63 = arith.constant 256 : i32
    %parallel_loop3A_64 = arith.constant 1 : i32
    scf.for %parallel_loop3A_181 = %parallel_loop3A to %parallel_loop3A_63 step %parallel_loop3A_64  : i32 {
      %parallel_loop3A_182 = arith.constant 16 : i32
      %parallel_loop3A_183 = arith.muli %parallel_loop3A_181, %parallel_loop3A_182 : i32
      %parallel_loop3A_184 = tpu.assume_multiple %parallel_loop3A_183, 16 : i32
      %parallel_loop3A_185 = arith.index_cast %parallel_loop3A_184 : i32 to index
      %parallel_loop3A_186 = tpu.vector_load %arg11[%parallel_loop3A_185] {strides = array<i32>} : memref<4096xi32, #tpu.memory_space<vmem>>, vector<16xi32>,
      %parallel_loop3A_187 = tpu.vector_load_idx %arg8[%parallel_loop3A_186] : memref<10000xf32, #tpu.memory_space<vmem>>[vector<16xi32>], vector<16xf32>,
      %parallel_loop3A_188 = arith.index_cast %parallel_loop3A_184 : i32 to index
      %parallel_loop3A_189 = tpu.vector_load %arg13[%parallel_loop3A_188] {strides = array<i32>} : memref<4096xf32, #tpu.memory_space<vmem>>, vector<16xf32>,
      tpu.vector_store %arg13[%parallel_loop3A_188], %parallel_loop3A_187 {strides = array<i32>} : memref<4096xf32, #tpu.memory_space<vmem>>, vector<16xf32>,
    } {sc.loop_unroll_factor = 8 : i64, sc.parallel_access}
    %add3A_65 = arith.constant 0 : i32
    %add3A_66 = arith.addi %mul3A_2, %add3A_65 : i32
    %dma_start3A_67 = arith.constant 0 : i32
    %dma_start3A_68 = tpu.memref_slice %arg6[%add3A_66, %dma_start3A_67] : memref<128x4096xf32, #tpu.memory_space<hbm>> -> memref<1x4096xf32, #tpu.memory_space<hbm>>
    %dma_start3A_69 = tpu.memref_squeeze %dma_start3A_68 : memref<1x4096xf32, #tpu.memory_space<hbm>> -> memref<4096xf32, #tpu.memory_space<hbm>>
    %dma_start3A_70 = arith.constant 0 : i32
    %dma_start3A_71 = tpu.memref_slice %arg6[%add3A_66, %dma_start3A_70] : memref<128x4096xf32, #tpu.memory_space<hbm>> -> memref<1x4096xf32, #tpu.memory_space<hbm>>
    %dma_start3A_72 = tpu.memref_squeeze %dma_start3A_71 : memref<1x4096xf32, #tpu.memory_space<hbm>> -> memref<4096xf32, #tpu.memory_space<hbm>>
    tpu.enqueue_dma source(%arg13 : memref<4096xf32, #tpu.memory_space<vmem>>) target(%dma_start3A_72 : memref<4096xf32, #tpu.memory_space<hbm>>) target_semaphore(%arg21 : memref<!tpu.dma_semaphore, #tpu.memory_space<semaphore_mem>>)
    %add3A_73 = arith.constant 1 : i32
    %add3A_74 = arith.addi %mul3A_2, %add3A_73 : i32
    %add3A_75 = arith.constant 1 : i32
    %add3A_76 = arith.addi %add3A_74, %add3A_75 : i32
    %dma_start3A_77 = arith.constant 0 : i32
    %dma_start3A_78 = tpu.memref_slice %arg2[%add3A_76, %dma_start3A_77] : memref<128x10000xf32, #tpu.memory_space<hbm>> -> memref<1x10000xf32, #tpu.memory_space<hbm>>
    %dma_start3A_79 = tpu.memref_squeeze %dma_start3A_78 : memref<1x10000xf32, #tpu.memory_space<hbm>> -> memref<10000xf32, #tpu.memory_space<hbm>>
    %dma_start3A_80 = arith.constant 0 : i32
    %dma_start3A_81 = tpu.memref_slice %arg2[%add3A_76, %dma_start3A_80] : memref<128x10000xf32, #tpu.memory_space<hbm>> -> memref<1x10000xf32, #tpu.memory_space<hbm>>
    %dma_start3A_82 = tpu.memref_squeeze %dma_start3A_81 : memref<1x10000xf32, #tpu.memory_space<hbm>> -> memref<10000xf32, #tpu.memory_space<hbm>>
    tpu.enqueue_dma source(%dma_start3A_82 : memref<10000xf32, #tpu.memory_space<hbm>>) target(%arg8 : memref<10000xf32, #tpu.memory_space<vmem>>) target_semaphore(%arg17 : memref<!tpu.dma_semaphore, #tpu.memory_space<semaphore_mem>>)
    %dma_wait3A_83 = arith.constant 0 : i32
    %dma_wait3A_84 = tpu.memref_slice %arg2[%add3A_51, %dma_wait3A_83] : memref<128x10000xf32, #tpu.memory_space<hbm>> -> memref<1x10000xf32, #tpu.memory_space<hbm>>
    %dma_wait3A_85 = tpu.memref_squeeze %dma_wait3A_84 : memref<1x10000xf32, #tpu.memory_space<hbm>> -> memref<10000xf32, #tpu.memory_space<hbm>>
    %dma_wait3A_86 = arith.constant 0 : i32
    %dma_wait3A_87 = tpu.memref_slice %arg2[%add3A_51, %dma_wait3A_86] : memref<128x10000xf32, #tpu.memory_space<hbm>> -> memref<1x10000xf32, #tpu.memory_space<hbm>>
    %dma_wait3A_88 = tpu.memref_squeeze %dma_wait3A_87 : memref<1x10000xf32, #tpu.memory_space<hbm>> -> memref<10000xf32, #tpu.memory_space<hbm>>
    tpu.wait_dma2 semaphore(%arg18 : memref<!tpu.dma_semaphore, #tpu.memory_space<semaphore_mem>>) src(%dma_wait3A_88 : memref<10000xf32, #tpu.memory_space<hbm>>) dst(%arg9 : memref<10000xf32, #tpu.memory_space<vmem>>)
    %parallel_loop3A_89 = arith.constant 0 : i32
    %parallel_loop3A_90 = arith.constant 256 : i32
    %parallel_loop3A_91 = arith.constant 1 : i32
    scf.for %parallel_loop3A_181 = %parallel_loop3A_89 to %parallel_loop3A_90 step %parallel_loop3A_91  : i32 {
      %parallel_loop3A_182 = arith.constant 16 : i32
      %parallel_loop3A_183 = arith.muli %parallel_loop3A_181, %parallel_loop3A_182 : i32
      %parallel_loop3A_184 = tpu.assume_multiple %parallel_loop3A_183, 16 : i32
      %parallel_loop3A_185 = arith.index_cast %parallel_loop3A_184 : i32 to index
      %parallel_loop3A_186 = tpu.vector_load %arg11[%parallel_loop3A_185] {strides = array<i32>} : memref<4096xi32, #tpu.memory_space<vmem>>, vector<16xi32>,
      %parallel_loop3A_187 = tpu.vector_load_idx %arg9[%parallel_loop3A_186] : memref<10000xf32, #tpu.memory_space<vmem>>[vector<16xi32>], vector<16xf32>,
      %parallel_loop3A_188 = arith.index_cast %parallel_loop3A_184 : i32 to index
      %parallel_loop3A_189 = tpu.vector_load %arg14[%parallel_loop3A_188] {strides = array<i32>} : memref<4096xf32, #tpu.memory_space<vmem>>, vector<16xf32>,
      tpu.vector_store %arg14[%parallel_loop3A_188], %parallel_loop3A_187 {strides = array<i32>} : memref<4096xf32, #tpu.memory_space<vmem>>, vector<16xf32>,
    } {sc.loop_unroll_factor = 8 : i64, sc.parallel_access}
    %add3A_92 = arith.constant 1 : i32
    %add3A_93 = arith.addi %mul3A_2, %add3A_92 : i32
    %dma_start3A_94 = arith.constant 0 : i32
    %dma_start3A_95 = tpu.memref_slice %arg6[%add3A_93, %dma_start3A_94] : memref<128x4096xf32, #tpu.memory_space<hbm>> -> memref<1x4096xf32, #tpu.memory_space<hbm>>
    %dma_start3A_96 = tpu.memref_squeeze %dma_start3A_95 : memref<1x4096xf32, #tpu.memory_space<hbm>> -> memref<4096xf32, #tpu.memory_space<hbm>>
    %dma_start3A_97 = arith.constant 0 : i32
    %dma_start3A_98 = tpu.memref_slice %arg6[%add3A_93, %dma_start3A_97] : memref<128x4096xf32, #tpu.memory_space<hbm>> -> memref<1x4096xf32, #tpu.memory_space<hbm>>
    %dma_start3A_99 = tpu.memref_squeeze %dma_start3A_98 : memref<1x4096xf32, #tpu.memory_space<hbm>> -> memref<4096xf32, #tpu.memory_space<hbm>>
    tpu.enqueue_dma source(%arg14 : memref<4096xf32, #tpu.memory_space<vmem>>) target(%dma_start3A_99 : memref<4096xf32, #tpu.memory_space<hbm>>) target_semaphore(%arg22 : memref<!tpu.dma_semaphore, #tpu.memory_space<semaphore_mem>>)
    %add3A_100 = arith.constant 2 : i32
    %add3A_101 = arith.addi %mul3A_2, %add3A_100 : i32
    %add3A_102 = arith.constant 1 : i32
    %add3A_103 = arith.addi %add3A_101, %add3A_102 : i32
    %dma_start3A_104 = arith.constant 0 : i32
    %dma_start3A_105 = tpu.memref_slice %arg2[%add3A_103, %dma_start3A_104] : memref<128x10000xf32, #tpu.memory_space<hbm>> -> memref<1x10000xf32, #tpu.memory_space<hbm>>
    %dma_start3A_106 = tpu.memref_squeeze %dma_start3A_105 : memref<1x10000xf32, #tpu.memory_space<hbm>> -> memref<10000xf32, #tpu.memory_space<hbm>>
    %dma_start3A_107 = arith.constant 0 : i32
    %dma_start3A_108 = tpu.memref_slice %arg2[%add3A_103, %dma_start3A_107] : memref<128x10000xf32, #tpu.memory_space<hbm>> -> memref<1x10000xf32, #tpu.memory_space<hbm>>
    %dma_start3A_109 = tpu.memref_squeeze %dma_start3A_108 : memref<1x10000xf32, #tpu.memory_space<hbm>> -> memref<10000xf32, #tpu.memory_space<hbm>>
    tpu.enqueue_dma source(%dma_start3A_109 : memref<10000xf32, #tpu.memory_space<hbm>>) target(%arg9 : memref<10000xf32, #tpu.memory_space<vmem>>) target_semaphore(%arg18 : memref<!tpu.dma_semaphore, #tpu.memory_space<semaphore_mem>>)
    %dma_wait3A_110 = arith.constant 0 : i32
    %dma_wait3A_111 = tpu.memref_slice %arg2[%add3A_76, %dma_wait3A_110] : memref<128x10000xf32, #tpu.memory_space<hbm>> -> memref<1x10000xf32, #tpu.memory_space<hbm>>
    %dma_wait3A_112 = tpu.memref_squeeze %dma_wait3A_111 : memref<1x10000xf32, #tpu.memory_space<hbm>> -> memref<10000xf32, #tpu.memory_space<hbm>>
    %dma_wait3A_113 = arith.constant 0 : i32
    %dma_wait3A_114 = tpu.memref_slice %arg2[%add3A_76, %dma_wait3A_113] : memref<128x10000xf32, #tpu.memory_space<hbm>> -> memref<1x10000xf32, #tpu.memory_space<hbm>>
    %dma_wait3A_115 = tpu.memref_squeeze %dma_wait3A_114 : memref<1x10000xf32, #tpu.memory_space<hbm>> -> memref<10000xf32, #tpu.memory_space<hbm>>
    tpu.wait_dma2 semaphore(%arg17 : memref<!tpu.dma_semaphore, #tpu.memory_space<semaphore_mem>>) src(%dma_wait3A_115 : memref<10000xf32, #tpu.memory_space<hbm>>) dst(%arg8 : memref<10000xf32, #tpu.memory_space<vmem>>)
    %dma_wait3A_116 = arith.constant 0 : i32
    %dma_wait3A_117 = tpu.memref_slice %arg6[%add3A_66, %dma_wait3A_116] : memref<128x4096xf32, #tpu.memory_space<hbm>> -> memref<1x4096xf32, #tpu.memory_space<hbm>>
    %dma_wait3A_118 = tpu.memref_squeeze %dma_wait3A_117 : memref<1x4096xf32, #tpu.memory_space<hbm>> -> memref<4096xf32, #tpu.memory_space<hbm>>
    %dma_wait3A_119 = arith.constant 0 : i32
    %dma_wait3A_120 = tpu.memref_slice %arg6[%add3A_66, %dma_wait3A_119] : memref<128x4096xf32, #tpu.memory_space<hbm>> -> memref<1x4096xf32, #tpu.memory_space<hbm>>
    %dma_wait3A_121 = tpu.memref_squeeze %dma_wait3A_120 : memref<1x4096xf32, #tpu.memory_space<hbm>> -> memref<4096xf32, #tpu.memory_space<hbm>>
    tpu.wait_dma2 semaphore(%arg21 : memref<!tpu.dma_semaphore, #tpu.memory_space<semaphore_mem>>) src(%arg13 : memref<4096xf32, #tpu.memory_space<vmem>>) dst(%dma_wait3A_121 : memref<4096xf32, #tpu.memory_space<hbm>>)
    %parallel_loop3A_122 = arith.constant 0 : i32
    %parallel_loop3A_123 = arith.constant 256 : i32
    %parallel_loop3A_124 = arith.constant 1 : i32
    scf.for %parallel_loop3A_181 = %parallel_loop3A_122 to %parallel_loop3A_123 step %parallel_loop3A_124  : i32 {
      %parallel_loop3A_182 = arith.constant 16 : i32
      %parallel_loop3A_183 = arith.muli %parallel_loop3A_181, %parallel_loop3A_182 : i32
      %parallel_loop3A_184 = tpu.assume_multiple %parallel_loop3A_183, 16 : i32
      %parallel_loop3A_185 = arith.index_cast %parallel_loop3A_184 : i32 to index
      %parallel_loop3A_186 = tpu.vector_load %arg11[%parallel_loop3A_185] {strides = array<i32>} : memref<4096xi32, #tpu.memory_space<vmem>>, vector<16xi32>,
      %parallel_loop3A_187 = tpu.vector_load_idx %arg8[%parallel_loop3A_186] : memref<10000xf32, #tpu.memory_space<vmem>>[vector<16xi32>], vector<16xf32>,
      %parallel_loop3A_188 = arith.index_cast %parallel_loop3A_184 : i32 to index
      %parallel_loop3A_189 = tpu.vector_load %arg13[%parallel_loop3A_188] {strides = array<i32>} : memref<4096xf32, #tpu.memory_space<vmem>>, vector<16xf32>,
      tpu.vector_store %arg13[%parallel_loop3A_188], %parallel_loop3A_187 {strides = array<i32>} : memref<4096xf32, #tpu.memory_space<vmem>>, vector<16xf32>,
    } {sc.loop_unroll_factor = 8 : i64, sc.parallel_access}
    %add3A_125 = arith.constant 2 : i32
    %add3A_126 = arith.addi %mul3A_2, %add3A_125 : i32
    %dma_start3A_127 = arith.constant 0 : i32
    %dma_start3A_128 = tpu.memref_slice %arg6[%add3A_126, %dma_start3A_127] : memref<128x4096xf32, #tpu.memory_space<hbm>> -> memref<1x4096xf32, #tpu.memory_space<hbm>>
    %dma_start3A_129 = tpu.memref_squeeze %dma_start3A_128 : memref<1x4096xf32, #tpu.memory_space<hbm>> -> memref<4096xf32, #tpu.memory_space<hbm>>
    %dma_start3A_130 = arith.constant 0 : i32
    %dma_start3A_131 = tpu.memref_slice %arg6[%add3A_126, %dma_start3A_130] : memref<128x4096xf32, #tpu.memory_space<hbm>> -> memref<1x4096xf32, #tpu.memory_space<hbm>>
    %dma_start3A_132 = tpu.memref_squeeze %dma_start3A_131 : memref<1x4096xf32, #tpu.memory_space<hbm>> -> memref<4096xf32, #tpu.memory_space<hbm>>
    tpu.enqueue_dma source(%arg13 : memref<4096xf32, #tpu.memory_space<vmem>>) target(%dma_start3A_132 : memref<4096xf32, #tpu.memory_space<hbm>>) target_semaphore(%arg21 : memref<!tpu.dma_semaphore, #tpu.memory_space<semaphore_mem>>)
    %dma_wait3A_133 = arith.constant 0 : i32
    %dma_wait3A_134 = tpu.memref_slice %arg2[%add3A_103, %dma_wait3A_133] : memref<128x10000xf32, #tpu.memory_space<hbm>> -> memref<1x10000xf32, #tpu.memory_space<hbm>>
    %dma_wait3A_135 = tpu.memref_squeeze %dma_wait3A_134 : memref<1x10000xf32, #tpu.memory_space<hbm>> -> memref<10000xf32, #tpu.memory_space<hbm>>
    %dma_wait3A_136 = arith.constant 0 : i32
    %dma_wait3A_137 = tpu.memref_slice %arg2[%add3A_103, %dma_wait3A_136] : memref<128x10000xf32, #tpu.memory_space<hbm>> -> memref<1x10000xf32, #tpu.memory_space<hbm>>
    %dma_wait3A_138 = tpu.memref_squeeze %dma_wait3A_137 : memref<1x10000xf32, #tpu.memory_space<hbm>> -> memref<10000xf32, #tpu.memory_space<hbm>>
    tpu.wait_dma2 semaphore(%arg18 : memref<!tpu.dma_semaphore, #tpu.memory_space<semaphore_mem>>) src(%dma_wait3A_138 : memref<10000xf32, #tpu.memory_space<hbm>>) dst(%arg9 : memref<10000xf32, #tpu.memory_space<vmem>>)
    %dma_wait3A_139 = arith.constant 0 : i32
    %dma_wait3A_140 = tpu.memref_slice %arg6[%add3A_93, %dma_wait3A_139] : memref<128x4096xf32, #tpu.memory_space<hbm>> -> memref<1x4096xf32, #tpu.memory_space<hbm>>
    %dma_wait3A_141 = tpu.memref_squeeze %dma_wait3A_140 : memref<1x4096xf32, #tpu.memory_space<hbm>> -> memref<4096xf32, #tpu.memory_space<hbm>>
    %dma_wait3A_142 = arith.constant 0 : i32
    %dma_wait3A_143 = tpu.memref_slice %arg6[%add3A_93, %dma_wait3A_142] : memref<128x4096xf32, #tpu.memory_space<hbm>> -> memref<1x4096xf32, #tpu.memory_space<hbm>>
    %dma_wait3A_144 = tpu.memref_squeeze %dma_wait3A_143 : memref<1x4096xf32, #tpu.memory_space<hbm>> -> memref<4096xf32, #tpu.memory_space<hbm>>
    tpu.wait_dma2 semaphore(%arg22 : memref<!tpu.dma_semaphore, #tpu.memory_space<semaphore_mem>>) src(%arg14 : memref<4096xf32, #tpu.memory_space<vmem>>) dst(%dma_wait3A_144 : memref<4096xf32, #tpu.memory_space<hbm>>)
    %parallel_loop3A_145 = arith.constant 0 : i32
    %parallel_loop3A_146 = arith.constant 256 : i32
    %parallel_loop3A_147 = arith.constant 1 : i32
    scf.for %parallel_loop3A_181 = %parallel_loop3A_145 to %parallel_loop3A_146 step %parallel_loop3A_147  : i32 {
      %parallel_loop3A_182 = arith.constant 16 : i32
      %parallel_loop3A_183 = arith.muli %parallel_loop3A_181, %parallel_loop3A_182 : i32
      %parallel_loop3A_184 = tpu.assume_multiple %parallel_loop3A_183, 16 : i32
      %parallel_loop3A_185 = arith.index_cast %parallel_loop3A_184 : i32 to index
      %parallel_loop3A_186 = tpu.vector_load %arg11[%parallel_loop3A_185] {strides = array<i32>} : memref<4096xi32, #tpu.memory_space<vmem>>, vector<16xi32>,
      %parallel_loop3A_187 = tpu.vector_load_idx %arg9[%parallel_loop3A_186] : memref<10000xf32, #tpu.memory_space<vmem>>[vector<16xi32>], vector<16xf32>,
      %parallel_loop3A_188 = arith.index_cast %parallel_loop3A_184 : i32 to index
      %parallel_loop3A_189 = tpu.vector_load %arg14[%parallel_loop3A_188] {strides = array<i32>} : memref<4096xf32, #tpu.memory_space<vmem>>, vector<16xf32>,
      tpu.vector_store %arg14[%parallel_loop3A_188], %parallel_loop3A_187 {strides = array<i32>} : memref<4096xf32, #tpu.memory_space<vmem>>, vector<16xf32>,
    } {sc.loop_unroll_factor = 8 : i64, sc.parallel_access}
    %add3A_148 = arith.constant 3 : i32
    %add3A_149 = arith.addi %mul3A_2, %add3A_148 : i32
    %dma_start3A_150 = arith.constant 0 : i32
    %dma_start3A_151 = tpu.memref_slice %arg6[%add3A_149, %dma_start3A_150] : memref<128x4096xf32, #tpu.memory_space<hbm>> -> memref<1x4096xf32, #tpu.memory_space<hbm>>
    %dma_start3A_152 = tpu.memref_squeeze %dma_start3A_151 : memref<1x4096xf32, #tpu.memory_space<hbm>> -> memref<4096xf32, #tpu.memory_space<hbm>>
    %dma_start3A_153 = arith.constant 0 : i32
    %dma_start3A_154 = tpu.memref_slice %arg6[%add3A_149, %dma_start3A_153] : memref<128x4096xf32, #tpu.memory_space<hbm>> -> memref<1x4096xf32, #tpu.memory_space<hbm>>
    %dma_start3A_155 = tpu.memref_squeeze %dma_start3A_154 : memref<1x4096xf32, #tpu.memory_space<hbm>> -> memref<4096xf32, #tpu.memory_space<hbm>>
    tpu.enqueue_dma source(%arg14 : memref<4096xf32, #tpu.memory_space<vmem>>) target(%dma_start3A_155 : memref<4096xf32, #tpu.memory_space<hbm>>) target_semaphore(%arg22 : memref<!tpu.dma_semaphore, #tpu.memory_space<semaphore_mem>>)
    %dma_wait3A_156 = tpu.memref_slice %arg5[%mul3A_39] : memref<4096xi32, #tpu.memory_space<hbm>> -> memref<2048xi32, #tpu.memory_space<hbm>>
    %dma_wait3A_157 = tpu.memref_slice %arg5[%mul3A_39] : memref<4096xi32, #tpu.memory_space<hbm>> -> memref<2048xi32, #tpu.memory_space<hbm>>
    tpu.wait_dma2 semaphore(%arg20 : memref<!tpu.dma_semaphore, #tpu.memory_space<semaphore_mem>>) src(%dma_wait3A_157 : memref<2048xi32, #tpu.memory_space<hbm>>) dst(%arg12 : memref<2048xi32, #tpu.memory_space<vmem>>)
    %dma_wait3A_158 = arith.constant 0 : i32
    %dma_wait3A_159 = tpu.memref_slice %arg4[%select_n3A_11, %dma_wait3A_158] : memref<16x20000xf32, #tpu.memory_space<hbm>> -> memref<1x20000xf32, #tpu.memory_space<hbm>>
    %dma_wait3A_160 = tpu.memref_squeeze %dma_wait3A_159 : memref<1x20000xf32, #tpu.memory_space<hbm>> -> memref<20000xf32, #tpu.memory_space<hbm>>
    %dma_wait3A_161 = arith.constant 0 : i32
    %dma_wait3A_162 = tpu.memref_slice %arg4[%select_n3A_11, %dma_wait3A_161] : memref<16x20000xf32, #tpu.memory_space<hbm>> -> memref<1x20000xf32, #tpu.memory_space<hbm>>
    %dma_wait3A_163 = tpu.memref_squeeze %dma_wait3A_162 : memref<1x20000xf32, #tpu.memory_space<hbm>> -> memref<20000xf32, #tpu.memory_space<hbm>>
    tpu.wait_dma2 semaphore(%arg19 : memref<!tpu.dma_semaphore, #tpu.memory_space<semaphore_mem>>) src(%dma_wait3A_163 : memref<20000xf32, #tpu.memory_space<hbm>>) dst(%arg10 : memref<20000xf32, #tpu.memory_space<vmem>>)
    %parallel_loop3A_164 = arith.constant 0 : i32
    %parallel_loop3A_165 = arith.constant 128 : i32
    %parallel_loop3A_166 = arith.constant 1 : i32
    scf.for %parallel_loop3A_181 = %parallel_loop3A_164 to %parallel_loop3A_165 step %parallel_loop3A_166  : i32 {
      %parallel_loop3A_182 = arith.constant 16 : i32
      %parallel_loop3A_183 = arith.muli %parallel_loop3A_181, %parallel_loop3A_182 : i32
      %parallel_loop3A_184 = tpu.assume_multiple %parallel_loop3A_183, 16 : i32
      %parallel_loop3A_185 = arith.index_cast %parallel_loop3A_184 : i32 to index
      %parallel_loop3A_186 = tpu.vector_load %arg12[%parallel_loop3A_185] {strides = array<i32>} : memref<2048xi32, #tpu.memory_space<vmem>>, vector<16xi32>,
      %parallel_loop3A_187 = tpu.vector_load_idx %arg10[%parallel_loop3A_186] : memref<20000xf32, #tpu.memory_space<vmem>>[vector<16xi32>], vector<16xf32>,
      %parallel_loop3A_188 = arith.index_cast %parallel_loop3A_184 : i32 to index
      %parallel_loop3A_189 = tpu.vector_load %arg15[%parallel_loop3A_188] {strides = array<i32>} : memref<2048xf32, #tpu.memory_space<vmem>>, vector<16xf32>,
      tpu.vector_store %arg15[%parallel_loop3A_188], %parallel_loop3A_187 {strides = array<i32>} : memref<2048xf32, #tpu.memory_space<vmem>>, vector<16xf32>,
    } {sc.loop_unroll_factor = 8 : i64, sc.parallel_access}
    %mul3A_167 = arith.constant 2048 : i32
    %mul3A_168 = arith.muli %select_n3A_32, %mul3A_167 : i32
    "tpu.region"() ({
      %run_scoped3A = tpu.sem_alloc : memref<!tpu.dma_semaphore, #tpu.memory_space<semaphore_mem>>
      %dma_start3A_181 = tpu.memref_slice %arg7[%select_n3A_11, %mul3A_168] : memref<16x4096xf32, #tpu.memory_space<hbm>> -> memref<1x2048xf32, #tpu.memory_space<hbm>>
      %dma_start3A_182 = tpu.memref_squeeze %dma_start3A_181 : memref<1x2048xf32, #tpu.memory_space<hbm>> -> memref<2048xf32, #tpu.memory_space<hbm>>
      %dma_start3A_183 = tpu.memref_slice %arg7[%select_n3A_11, %mul3A_168] : memref<16x4096xf32, #tpu.memory_space<hbm>> -> memref<1x2048xf32, #tpu.memory_space<hbm>>
      %dma_start3A_184 = tpu.memref_squeeze %dma_start3A_183 : memref<1x2048xf32, #tpu.memory_space<hbm>> -> memref<2048xf32, #tpu.memory_space<hbm>>
      tpu.enqueue_dma source(%arg15 : memref<2048xf32, #tpu.memory_space<vmem>>) target(%dma_start3A_184 : memref<2048xf32, #tpu.memory_space<hbm>>) target_semaphore(%run_scoped3A : memref<!tpu.dma_semaphore, #tpu.memory_space<semaphore_mem>>)
      %dma_wait3A_185 = tpu.memref_slice %arg7[%select_n3A_11, %mul3A_168] : memref<16x4096xf32, #tpu.memory_space<hbm>> -> memref<1x2048xf32, #tpu.memory_space<hbm>>
      %dma_wait3A_186 = tpu.memref_squeeze %dma_wait3A_185 : memref<1x2048xf32, #tpu.memory_space<hbm>> -> memref<2048xf32, #tpu.memory_space<hbm>>
      %dma_wait3A_187 = tpu.memref_slice %arg7[%select_n3A_11, %mul3A_168] : memref<16x4096xf32, #tpu.memory_space<hbm>> -> memref<1x2048xf32, #tpu.memory_space<hbm>>
      %dma_wait3A_188 = tpu.memref_squeeze %dma_wait3A_187 : memref<1x2048xf32, #tpu.memory_space<hbm>> -> memref<2048xf32, #tpu.memory_space<hbm>>
      tpu.wait_dma2 semaphore(%run_scoped3A : memref<!tpu.dma_semaphore, #tpu.memory_space<semaphore_mem>>) src(%arg15 : memref<2048xf32, #tpu.memory_space<vmem>>) dst(%dma_wait3A_188 : memref<2048xf32, #tpu.memory_space<hbm>>)
      tpu.yield
    }) : () -> ()
    %dma_wait3A_169 = arith.constant 0 : i32
    %dma_wait3A_170 = tpu.memref_slice %arg6[%add3A_126, %dma_wait3A_169] : memref<128x4096xf32, #tpu.memory_space<hbm>> -> memref<1x4096xf32, #tpu.memory_space<hbm>>
    %dma_wait3A_171 = tpu.memref_squeeze %dma_wait3A_170 : memref<1x4096xf32, #tpu.memory_space<hbm>> -> memref<4096xf32, #tpu.memory_space<hbm>>
    %dma_wait3A_172 = arith.constant 0 : i32
    %dma_wait3A_173 = tpu.memref_slice %arg6[%add3A_126, %dma_wait3A_172] : memref<128x4096xf32, #tpu.memory_space<hbm>> -> memref<1x4096xf32, #tpu.memory_space<hbm>>
    %dma_wait3A_174 = tpu.memref_squeeze %dma_wait3A_173 : memref<1x4096xf32, #tpu.memory_space<hbm>> -> memref<4096xf32, #tpu.memory_space<hbm>>
    tpu.wait_dma2 semaphore(%arg21 : memref<!tpu.dma_semaphore, #tpu.memory_space<semaphore_mem>>) src(%arg13 : memref<4096xf32, #tpu.memory_space<vmem>>) dst(%dma_wait3A_174 : memref<4096xf32, #tpu.memory_space<hbm>>)
    %dma_wait3A_175 = arith.constant 0 : i32
    %dma_wait3A_176 = tpu.memref_slice %arg6[%add3A_149, %dma_wait3A_175] : memref<128x4096xf32, #tpu.memory_space<hbm>> -> memref<1x4096xf32, #tpu.memory_space<hbm>>
    %dma_wait3A_177 = tpu.memref_squeeze %dma_wait3A_176 : memref<1x4096xf32, #tpu.memory_space<hbm>> -> memref<4096xf32, #tpu.memory_space<hbm>>
    %dma_wait3A_178 = arith.constant 0 : i32
    %dma_wait3A_179 = tpu.memref_slice %arg6[%add3A_149, %dma_wait3A_178] : memref<128x4096xf32, #tpu.memory_space<hbm>> -> memref<1x4096xf32, #tpu.memory_space<hbm>>
    %dma_wait3A_180 = tpu.memref_squeeze %dma_wait3A_179 : memref<1x4096xf32, #tpu.memory_space<hbm>> -> memref<4096xf32, #tpu.memory_space<hbm>>
    tpu.wait_dma2 semaphore(%arg22 : memref<!tpu.dma_semaphore, #tpu.memory_space<semaphore_mem>>) src(%arg14 : memref<4096xf32, #tpu.memory_space<vmem>>) dst(%dma_wait3A_180 : memref<4096xf32, #tpu.memory_space<hbm>>)
    return
  }
}

module attributes {stable_mosaic.version = 14 : i64} {
  func.func @_tc_dense_body(%arg0: i32, %arg1: memref<32x4096xf32, #tpu.memory_space<vmem>>, %arg2: memref<16x4096xf32, #tpu.memory_space<any>>, %arg3: memref<16x4096xf32, #tpu.memory_space<any>>, %arg4: memref<32x16xf32, #tpu.memory_space<vmem>>, %arg5: memref<32x16x4096xf32, #tpu.memory_space<vmem>>, %arg6: memref<16x4096xf32, #tpu.memory_space<vmem>>, %arg7: memref<16x4096xf32, #tpu.memory_space<vmem>>, %arg8: memref<!tpu.dma_semaphore, #tpu.memory_space<semaphore_mem>>) attributes {dimension_semantics = [#tpu.dimension_semantics<arbitrary>], iteration_bounds = array<i64: 4>, scalar_prefetch = 0 : i64, scratch_operands = 3 : i64, tpu.core_type = #tpu.core_type<tc>, window_params = [{transform_indices = @transform_0, window_bounds = array<i64: 32, 4096>}, {}, {}, {transform_indices = @transform_3, window_bounds = array<i64: 32, 16>}, {transform_indices = @transform_4, window_bounds = array<i64: 32, 16, 4096>}]} {
    %eq3A = arith.constant 0 : i32
    %eq3A_0 = arith.cmpi eq, %arg0, %eq3A : i32
    %convert_element_type3A = arith.extui %eq3A_0 : i1 to i32
    %cond3A = arith.constant 0 : i32
    %cond3A_1 = arith.cmpi ne, %convert_element_type3A, %cond3A : i32
    scf.if %cond3A_1 {
      tpu.enqueue_dma source(%arg2 : memref<16x4096xf32, #tpu.memory_space<any>>) target(%arg6 : memref<16x4096xf32, #tpu.memory_space<vmem>>) target_semaphore(%arg8 : memref<!tpu.dma_semaphore, #tpu.memory_space<semaphore_mem>>)
      tpu.wait_dma2 semaphore(%arg8 : memref<!tpu.dma_semaphore, #tpu.memory_space<semaphore_mem>>) src(%arg2 : memref<16x4096xf32, #tpu.memory_space<any>>) dst(%arg6 : memref<16x4096xf32, #tpu.memory_space<vmem>>)
      tpu.enqueue_dma source(%arg3 : memref<16x4096xf32, #tpu.memory_space<any>>) target(%arg7 : memref<16x4096xf32, #tpu.memory_space<vmem>>) target_semaphore(%arg8 : memref<!tpu.dma_semaphore, #tpu.memory_space<semaphore_mem>>)
      tpu.wait_dma2 semaphore(%arg8 : memref<!tpu.dma_semaphore, #tpu.memory_space<semaphore_mem>>) src(%arg3 : memref<16x4096xf32, #tpu.memory_space<any>>) dst(%arg7 : memref<16x4096xf32, #tpu.memory_space<vmem>>)
    } else {
    }
    %get3A = arith.constant 0 : index
    %get3A_2 = arith.constant 0 : index
    %get3A_3 = vector.load %arg1[%get3A, %get3A_2] : memref<32x4096xf32, #tpu.memory_space<vmem>>, vector<32x4096xf32>
    %broadcast_in_dim3A = vector.shape_cast %get3A_3 : vector<32x4096xf32> to vector<32x1x4096xf32>
    %get3A_4 = arith.constant 0 : index
    %get3A_5 = arith.constant 0 : index
    %get3A_6 = vector.load %arg4[%get3A_4, %get3A_5] : memref<32x16xf32, #tpu.memory_space<vmem>>, vector<32x16xf32>
    %log3A = math.log %get3A_6 : vector<32x16xf32>
    %get3A_7 = arith.constant 0 : index
    %get3A_8 = arith.constant 0 : index
    %get3A_9 = vector.load %arg6[%get3A_7, %get3A_8] : memref<16x4096xf32, #tpu.memory_space<vmem>>, vector<16x4096xf32>
    %broadcast_in_dim3A_10 = vector.shape_cast %get3A_9 : vector<16x4096xf32> to vector<1x16x4096xf32>
    %get3A_11 = arith.constant 0 : index
    %get3A_12 = arith.constant 0 : index
    %get3A_13 = vector.load %arg7[%get3A_11, %get3A_12] : memref<16x4096xf32, #tpu.memory_space<vmem>>, vector<16x4096xf32>
    %broadcast_in_dim3A_14 = vector.shape_cast %get3A_13 : vector<16x4096xf32> to vector<1x16x4096xf32>
    %mul3A = vector.broadcast %broadcast_in_dim3A : vector<32x1x4096xf32> to vector<32x16x4096xf32>
    %mul3A_15 = vector.broadcast %broadcast_in_dim3A_14 : vector<1x16x4096xf32> to vector<32x16x4096xf32>
    %mul3A_16 = arith.mulf %mul3A, %mul3A_15 : vector<32x16x4096xf32>
    %add3A = vector.broadcast %broadcast_in_dim3A_10 : vector<1x16x4096xf32> to vector<32x16x4096xf32>
    %add3A_17 = arith.addf %add3A, %mul3A_16 : vector<32x16x4096xf32>
    %broadcast_in_dim3A_18 = vector.shape_cast %log3A : vector<32x16xf32> to vector<32x16x1xf32>
    %add3A_19 = vector.broadcast %broadcast_in_dim3A_18 : vector<32x16x1xf32> to vector<32x16x4096xf32>
    %add3A_20 = arith.addf %add3A_17, %add3A_19 : vector<32x16x4096xf32>
    %exp3A = math.exp %add3A_20 : vector<32x16x4096xf32>
    %swap3A = arith.constant 0 : index
    %swap3A_21 = arith.constant 0 : index
    %swap3A_22 = arith.constant 0 : index
    %swap3A_23 = vector.load %arg5[%swap3A, %swap3A_21, %swap3A_22] : memref<32x16x4096xf32, #tpu.memory_space<vmem>>, vector<32x16x4096xf32>
    tpu.vector_store %arg5[%swap3A, %swap3A_21, %swap3A_22], %exp3A {strides = array<i32>} : memref<32x16x4096xf32, #tpu.memory_space<vmem>>, vector<32x16x4096xf32>,
    return
  }
  func.func @transform_0(%arg0: i32) -> (i32, i32) {
    %c0_i32 = arith.constant 0 : i32
    %c0_i32_0 = arith.constant 0 : i32
    return %arg0, %c0_i32 : i32, i32
  }
  func.func @transform_3(%arg0: i32) -> (i32, i32) {
    %c0_i32 = arith.constant 0 : i32
    %c0_i32_0 = arith.constant 0 : i32
    return %arg0, %c0_i32 : i32, i32
  }
  func.func @transform_4(%arg0: i32) -> (i32, i32, i32) {
    %c0_i32 = arith.constant 0 : i32
    %c0_i32_0 = arith.constant 0 : i32
    %c0_i32_1 = arith.constant 0 : i32
    return %arg0, %c0_i32, %c0_i32_0 : i32, i32, i32
  }
}

</mosaic_0001>

<sc_bundles>
// kernel: kernel.4.cloned.1.call-start
scs
__scs_entry_jumppad:
0x0: {  	(pc) =	sbr.rel $0x88, $3  }
0x1: {  	(tag) =	ssettag $0x0;
	lr =	simm.s32 $0x1  }
0x2: {  	[smem:$0x3F9B] =	sst lr;
	_ =	strace $0xD0000000  }
0x3: {  	_ = 	snop  }
0x4: {  	_ = 	snop  }
0x5: {  	_ = 	snop  }
0x6: {  	_ = 	snop  }
0x7: {  	_ = 	snop  }
__scs_overlays_trampoline_lowered:
0x8: {  	[smem:$0x3FAA] =	sst s0  }
0x9: {  	[smem:$0x3FAB] =	sst s1  }
0xa: {  	[smem:$0x3FAC] =	sst s2  }
0xb: {  	[smem:$0x3FAD] =	sst s3  }
0xc: {  	[smem:$0x3FAE] =	sst s4  }
0xd: {  	[smem:$0x3FAF] =	sst s5  }
0xe: {  	[smem:$0x3FB0] =	sst s6  }
0xf: {  	[smem:$0x3FB1] =	sst s7  }
0x10: {  	[smem:$0x3FB2] =	sst s8  }
0x11: {  	[smem:$0x3FB3] =	sst s9;
	s0 =	simm.s32 @!p0 $0x0  }
0x12: {  	s1 =	sld [smem:$0x3F99];
	s0 =	simm.s32 @p0 $0x1  }
0x13: {  	[smem:$0x3FB4] =	sst s0;
	s0 =	simm.s32 @!p1 $0x0  }
0x14: {  	s2 =	sld [smem:$0x3F98];
	s0 =	simm.s32 @p1 $0x1  }
0x15: {  	[smem:$0x3FB5] =	sst s0;
	s0 =	simm.s32 @!p2 $0x0  }
0x16: {  	s3 =	sld [smem:$0x3FDB];
	s0 =	simm.s32 @p2 $0x1  }
0x17: {  	s4 =	simm.s32 $0x1BF5;
	[smem:$0x3FB7] =	sst s0  }
0x18: {  	s0 =	sld [smem:$0x3F9A];
	_ =	swait.ge [sflag:s4], $0x0  }
0x19: {  	s7 =	sld [smem:$0x3F9B]  }
0x1a: {  	s8 =	sadd.s32 $0xFFFFE003, lr  }
0x1b: {  	s9 =	sadd.s32 $0xFFFFFEF7, lr;
	s5 =	simm.s32 $0xFFFFFFFF;
	p2 =	slt.u32 s8, $0xFFFFF086  }
0x1c: {  	p1 =	slt.u32 s9, $0xF7A;
	s5 =	simm.s32 @!p2 $0x0  }
0x1d: {  	s5 =	simm.s32 @p1 $0x1;
	p0 =	seq.s32 s7, s2  }
0x1e: {  	s7 =	smul.u32 @!p0 $0xF7A, s2;
	p2 =	seq.s32 @!p0 s5, $0x0  }
0x1f: {  	s9 =	smul.u32 $0xF7A, s1;
	s8 =	simm.s32 @!p0 $0x1BF5;
	p2 =	por !p2, p0  }
0x20: {  	[sflag:s8] =	ssyncset.s32 @!p0 $0xFFFFF086;
	s6 =	sadd.s32 @!p0 s3, s7;
	s7 =	simm.s32 @!p0 $0x108  }
0x21: {  	s3 =	sadd.s32 s3, s9;
	s6 =	sadd.s32 @!p0 $0x88, s6;
	s7 =	simm.s32 @p2 $0x1082  }
0x22: {  	[simem:s7], [sflag:s8] =	dma.local @!p0 [hbm:s6], $0xF7A  }
0x23: {  	s9 =	sor.u32 $0xD0000000, s2;
	s6 =	simm.s32 $0x108;
	_ =	swait.ge @!p0 [sflag:s8], $0x0  }
0x24: {  	s3 =	sadd.s32 $0x88, s3;
	s6 =	simm.s32 @!p1 $0x1082;
	[sflag:s4] =	ssyncset.s32 $0xFFFFF086  }
0x25: {  	[simem:s6], [sflag:s4] =	dma.local [hbm:s3], $0xF7A  }
0x26: {  	[smem:$0x3F9B] =	sst s1;
	(tag) =	ssettag s2;
	_ =	strace s9  }
0x27: {  	s1 =	sld [smem:$0x3FAB]  }
0x28: {  	s2 =	sld [smem:$0x3FAC]  }
0x29: {  	s4 =	sld [smem:$0x3FAE]  }
0x2a: {  	p0 =	seq.s32 s5, $0x0;
	s5 =	sld [smem:$0x3FAF]  }
0x2b: {  	s6 =	sld [smem:$0x3FB0]  }
0x2c: {  	s7 =	sld [smem:$0x3FB1]  }
0x2d: {  	s3 =	simm.s32 $0x108;
	s8 =	sld [smem:$0x3FB2]  }
0x2e: {  	s3 =	simm.s32 @!p0 $0x1082;
	s9 =	sld [smem:$0x3FB3]  }
0x2f: {  	lr =	sadd.s32 s0, s3;
	s0 =	sld [smem:$0x3FAA]  }
0x30: {  	s3 =	sld [smem:$0x3FAD]  }
0x31: {  	[smem:$0x3FB6] =	sst s10  }
0x32: {  	s10 =	sld [smem:$0x3FB4];
	_ =	sdelay $0x3  }
0x33: {  	p0 =	seq.s32 s10, $0x1;
	s10 =	sld [smem:$0x3FB6];
	_ =	sdelay $0x3  }
0x34: {  	[smem:$0x3FB6] =	sst s10  }
0x35: {  	s10 =	sld [smem:$0x3FB5];
	_ =	sdelay $0x3  }
0x36: {  	p1 =	seq.s32 s10, $0x1;
	s10 =	sld [smem:$0x3FB6];
	_ =	sdelay $0x3  }
0x37: {  	[smem:$0x3FB6] =	sst s10  }
0x38: {  	s10 =	sld [smem:$0x3FB7]  }
0x39: {  	_ = 	snop;
	(pc) =	sbr.ind lr, $3  }
0x3a: {  	_ = 	snop  }
0x3b: {  	_ = 	snop  }
0x3c: {  	p2 =	seq.s32 s10, $0x1;
	s10 =	sld [smem:$0x3FB6]  }
0x3d: {  	_ =	shalt  }
0x3e: {  	_ =	shalt  }
0x3f: {  	_ =	shalt  }
0x40: {  	_ =	shalt  }
0x41: {  	_ =	shalt  }
0x42: {  	_ =	shalt  }
0x43: {  	_ =	shalt  }
0x44: {  	_ =	shalt  }
0x45: {  	_ =	shalt  }
0x46: {  	_ =	shalt  }
0x47: {  	_ =	shalt  }
0x48: {  	_ =	shalt  }
0x49: {  	_ =	shalt  }
0x4a: {  	_ =	shalt  }
0x4b: {  	_ =	shalt  }
0x4c: {  	_ =	shalt  }
0x4d: {  	_ =	shalt  }
0x4e: {  	_ =	shalt  }
0x4f: {  	_ =	shalt  }
0x50: {  	_ =	shalt  }
0x51: {  	_ =	shalt  }
0x52: {  	_ =	shalt  }
0x53: {  	_ =	shalt  }
0x54: {  	_ =	shalt  }
0x55: {  	_ =	shalt  }
0x56: {  	_ =	shalt  }
0x57: {  	_ =	shalt  }
0x58: {  	_ =	shalt  }
0x59: {  	_ =	shalt  }
0x5a: {  	_ =	shalt  }
0x5b: {  	_ =	shalt  }
0x5c: {  	_ =	shalt  }
0x5d: {  	_ =	shalt  }
0x5e: {  	_ =	shalt  }
0x5f: {  	_ =	shalt  }
0x60: {  	_ =	shalt  }
0x61: {  	_ =	shalt  }
0x62: {  	_ =	shalt  }
0x63: {  	_ =	shalt  }
0x64: {  	_ =	shalt  }
0x65: {  	_ =	shalt  }
0x66: {  	_ =	shalt  }
0x67: {  	_ =	shalt  }
0x68: {  	_ =	shalt  }
0x69: {  	_ =	shalt  }
0x6a: {  	_ =	shalt  }
0x6b: {  	_ =	shalt  }
0x6c: {  	_ =	shalt  }
0x6d: {  	_ =	shalt  }
0x6e: {  	_ =	shalt  }
0x6f: {  	_ =	shalt  }
0x70: {  	_ =	shalt  }
0x71: {  	_ =	shalt  }
0x72: {  	_ =	shalt  }
0x73: {  	_ =	shalt  }
0x74: {  	_ =	shalt  }
0x75: {  	_ =	shalt  }
0x76: {  	_ =	shalt  }
0x77: {  	_ =	shalt  }
0x78: {  	_ =	shalt  }
0x79: {  	_ =	shalt  }
0x7a: {  	_ =	shalt  }
0x7b: {  	_ =	shalt  }
0x7c: {  	_ =	shalt  }
0x7d: {  	_ =	shalt  }
0x7e: {  	_ =	shalt  }
0x7f: {  	_ =	shalt  }
0x80: {  	_ =	shalt  }
0x81: {  	_ =	shalt  }
0x82: {  	_ =	shalt  }
0x83: {  	_ =	shalt  }
0x84: {  	_ =	shalt  }
0x85: {  	_ =	shalt  }
0x86: {  	_ =	shalt  }
0x87: {  	_ =	shalt  }
.Lfunc_end0:
.L_simem_size_0:
called_computation_lowered:
.L_overlay_start_0:
0x88: {  	s2 =	sld [smem:$0x3FD9]  }
0x89: {  	s3 =	sld [smem:$0x3FFE];
	_ =	sdelay $0x1  }
0x8a: {  	s1 =	srdreg.scid  }
0x8b: {  	s0 =	sand.u32 $0x1, s1  }
0x8c: {  	s17 =	sshll.u32 s0, $0xA;
	s2 =	sadd.s32 s3, s2  }
0x8d: {  	s2 =	sadd.s32 s2, s17  }
0x8e: {  	[smem:$0x3FC2] =	sst s2  }
0x8f: {  	_ = 	snop  }
0x90: {  	s2 =	sld [smem:$0x3FC7]  }
0x91: {  	s18 =	sld [smem:$0x3FC6]  }
0x92: {  	s4 =	sld [smem:$0x3FC4]  }
0x93: {  	s5 =	sld [smem:$0x3FD0];
	(tm) =	ssettm $0x1  }
0x94: {  	s6 =	sld [smem:$0x3FFB];
	_ =	sdelay $0x3  }
0x95: {  	_ =	strace s6  }
0x96: {  	s6 =	sld [smem:$0x3FFC];
	_ =	sdelay $0x3  }
0x97: {  	_ =	strace s6  }
0x98: {  	s6 =	sld [smem:$0x3FFD];
	_ =	sdelay $0x3  }
0x99: {  	_ =	strace s6  }
0x9a: {  	_ =	strace $0x8FFFFFFF  }
0x9b: {  	s19 =	sld [smem:$0x3FDB];
	_ =	sdelay $0x1  }
0x9c: {  	s7 =	simm.s32 $_scs_section_size  }
0x9d: {  	s8 =	simm.s32 $_size__tile_overlayer_lowered;
	s9 =	simm.s32 $_tile_overlayer_lowered  }
0x9e: {  	s22 =	simm.s32 $0x1BFF;
	s21 =	sshll.u32 s9, $0x1;
	s6 =	sadd.s32 s7, s19  }
0x9f: {  	s10 =	simm.s32 $0x0;
	s20 =	sshll.u32 s8, $0x1;
	s8 =	sadd.s32 s21, s6  }
0xa0: {  	[timem:s10], [sflag:s22] =	dma.local [hbm:s8], s20  }
0xa1: {  	_ =	swait.ge [sflag:s22], s20  }
0xa2: {  	s7 =	ssub.s32 $0x0, s20;
	[sflag:s22] =	ssyncset.done $0x0  }
0xa3: {  	[sflag:s22] =	ssyncadd.s32 s7;
	_ =	sdelay $0x1  }
0xa4: {  	s23 =	simm.s32 $0x1B8B  }
0xa5: {  	_ =	swait.ge [sflag:s23], $0x1  }
0xa6: {  	[sflag:s23] =	ssyncset.done $0x0  }
0xa7: {  	s25 =	simm.s32 $0x1B8E;
	s24 =	sld [smem:$0x3FFE];
	[sflag:s23] =	ssyncadd.s32 $0xFFFFFFFF  }
0xa8: {  	s26 =	simm.s32 $execute0_lowered;
	[smem:$0x3FD2] =	sst s25  }
0xa9: {  	s8 =	sshll.u32 s26, $0x1;
	_ =	strace $0x80000046;
	[dreg:$0x1] =	wrdreg $0xFFFFFFFF  }
0xaa: {  	s28 =	simm.s32 $_size_execute0_lowered;
	s6 =	sadd.s32 s6, s8;
	[dreg:$0x0] =	wrdreg $0x0  }
0xab: {  	s8 =	sshll.u32 s28, $0x1;
	[dreg:$0x2] =	wrdreg s6  }
0xac: {  	[dreg:$0x3] =	wrdreg s8  }
0xad: {  	[dreg:$0x4] =	wrdreg $0xC0  }
0xae: {  	_ =	task [dreg:s10], $0x5FFFF  }
0xaf: {  	[dreg:$0x1] =	wrdreg $0xFFFFFFFF  }
0xb0: {  	[dreg:$0x0] =	wrdreg $0x60  }
0xb1: {  	[dreg:$0x2] =	wrdreg s5  }
0xb2: {  	[dreg:$0x3] =	wrdreg s18  }
0xb3: {  	[dreg:$0x4] =	wrdreg s4  }
0xb4: {  	[dreg:$0x5] =	wrdreg s2  }
0xb5: {  	[dreg:$0x6] =	wrdreg s24  }
0xb6: {  	[dreg:$0x7] =	wrdreg $0x9  }
0xb7: {  	_ =	task.clear_ibuf [dreg:s10], $0x8FFFF;
	_ =	strace $0x90000046  }
0xb8: {  	s29 =	simm.s32 $0x9;
	_ =	strace $0x80000048  }
0xb9: {  	_ =	swait.ge [sflag:s29], $0x1  }
0xba: {  	[sflag:s29] =	ssyncadd.s32 $0xFFFFFFFF  }
0xbb: {  	_ =	strace $0x90000048  }
0xbc: {  	_ =	sfence  }
0xbd: {  	s30 =	sld [smem:$0x0];
	_ =	sdelay $0x2  }
0xbe: {  	s31 =	sshll.u32 s1, $0xD;
	s1 =	sshrl.u32 s1, $0x2  }
0xbf: {  	s3 =	sand.u32 $0x4000, s31;
	s1 =	sadd.s32 s1, s30  }
0xc0: {  	s0 =	sor.u32 s3, s0;
	s1 =	sshll.u32 s1, $0x11  }
0xc1: {  	s0 =	sor.u32 s1, s0  }
0xc2: {  	s0 =	sadd.s32 $0x8F2B, s0  }
0xc3: {  	[sflag:s0] =	ssyncadd.remote.s32 $0x1  }
0xc4: {  	_ =	sfence.sel $0xFFFF  }
0xc5: {  	[dreg:$0x0] =	wrdreg $0xFFFFFFFF;
	(pc) =	sbr.abs _section_cstart, $3  }
0xc6: {  	[dreg:$0x1] =	wrdreg $0xFFFFFFFF  }
0xc7: {  	_ =	task.clear_ibuf [dreg:s10], $0x2FFFF;
	_ =	strace $0x9FFFFFFF  }
0xc8: {  	(tm) =	ssettm $0x7FFFFFFF  }
0xc9: {  	_ =	shalt  }
tec
execute0_lowered:
.L_overlay_start_1:
0x0: {  	(tag) =	ssettag $0x1  }
0x1: {  	s0 =	rddreg [dreg:$0x0]  }
0x2: {  	s1 =	rddreg [dreg:$0x2]  }
0x3: {  	s2 =	rddreg [dreg:$0x3]  }
0x4: {  	s12 =	stileid.u32;
	s4 =	rddreg [dreg:$0x4]  }
0x5: {  	s3 =	srdreg.scid;
	s28 =	simm.s32 $0x6;
	s29 =	simm.s32 $0x7  }
0x6: {  	s30 =	simm.s32 $0x5;
	s31 =	simm.s32 $0x4;
	s5 =	sshrl.u32 s12, $0x2  }
0x7: {  	s6 =	sand.u32 $0x1, s3;
	s18 =	sshll.u32 s12, $0x8;
	s8 =	sshrl.u32 s12, $0x3  }
0x8: {  	s3 =	simm.s32 $0x0;
	s13 =	sadd.s32 $0x1000, s4;
	s5 =	sand.u32 $0x1, s5  }
0x9: {  	s7 =	sshll.u32 s6, $0x7;
	s9 =	sand.u32 $0x300, s18;
	s10 =	sshll.u32 s8, $0xE  }
0xa: {  	[smem:$0x7FF] =	sst s3;
	s20 =	ssub.s32 $0x2, s6;
	s23 =	sshll.u32 s6, $0x9  }
0xb: {  	s24 =	sshll.u32 s8, $0x8;
	s11 =	sshll.u32 s5, $0xF;
	s7 =	sor.u32 s7, s9  }
0xc: {  	_ =	strace $0x80000047;
	s5 =	smul.u32 $0x27400, s5;
	s21 =	sshrl.u32 s20, $0x1  }
0xd: {  	s26 =	sor.u32 $0x80, s23;
	s16 =	sor.u32 $0x100, s23;
	s19 =	sor.u32 s10, s11  }
0xe: {  	s11 =	smul.u32 $0x13C00, s12;
	s15 =	ssub.s32 s20, s21;
	s12 =	sshll.u32 s12, $0xF  }
0xf: {  	s9 =	sor.u32 s7, s19;
	s5 =	sor.u32 s7, s5;
	s18 =	sor.u32 s23, s12  }
0x10: {  	s15 =	smax.u32 s15, $0x1;
	s9 =	sshrl.u32 s9, $0x3;
	s22 =	sshrl.u32 s5, $0x3  }
0x11: {  	s6 =	sor.u32 s23, s11;
	s5 =	sadd.s32 s2, s24;
	s17 =	sor.u32 s11, s26  }
0x12: {  	s19 =	sshrl.u32 s18, $0x3;
	s20 =	sor.u32 s11, s16;
	s2 =	sor.u32 s12, s26  }
0x13: {  	s23 =	sor.u32 $0x180, s23;
	s18 =	simm.s32 $0x400;
	s14 =	sadd.s32 s9, s4  }
0x14: {  	s4 =	sadd.s32 s1, s22;
	s25 =	sshrl.u32 s6, $0x3;
	s1 =	sshrl.u32 s17, $0x3  }
0x15: {  	s8 =	sadd.s32 s13, s19;
	s21 =	sshrl.u32 s20, $0x3;
	s22 =	sshrl.u32 s2, $0x3  }
0x16: {  	s24 =	sor.u32 s11, s23;
	s2 =	sor.u32 s12, s23;
	s17 =	simm.s32 $0x80  }
0x17: {  	s19 =	simm.s32 $0x4F00;
	s23 =	simm.s32 $0x2;
	s6 =	sadd.s32 s0, s25  }
0x18: {  	s7 =	sadd.s32 s0, s1;
	s9 =	sadd.s32 s0, s21;
	s10 =	sadd.s32 s13, s22  }
0x19: {  	s25 =	sor.u32 s12, s16;
	s1 =	sshrl.u32 s24, $0x3;
	s26 =	sshrl.u32 s2, $0x3  }
0x1a: {  	s14 =	sadd.s32 $0x11000, s14;
	s21 =	simm.s32 $0x1;
	s22 =	simm.s32 $0x2780  }
0x1b: {  	s24 =	simm.s32 $0xB580;
	s16 =	sshrl.u32 s25, $0x3;
	s11 =	sadd.s32 s0, s1  }
0x1c: {  	s25 =	simm.s32 $0x3;
	s0 =	simm.s32 $0x8;
	s1 =	simm.s32 $0x0  }
0x1d: {  	s12 =	sadd.s32 s13, s16;
	s13 =	sadd.s32 s13, s26;
	s26 =	simm.s32 $0xC580  }
.LBB2_1:
0x1e: {  	s2 =	rddreg [dreg:$0x1];
	s16 =	simm.s32 $0x9D80  }
0x1f: {  	[tilespmem:s16], [sflag:$0x1] =	stream.linear.gather [hbm4b:s2+s3], $0x1000, $0x38;
	[tilespmem:$0xDD80] =	vst v63  }
0x20: {  	_ = 	snop  }
0x21: {  	[tilespmem:s19], [sflag:$0x4] =	stream.strided.gather [hbm4b:s4+s17], $0x4E80, s18, s17, $0x38;
	[tilespmem:$0xDD80] =	vst v63  }
0x22: {  	s16 =	simm.s32 $0xAD80  }
0x23: {  	[tilespmem:s16], [sflag:$0x5] =	stream.linear.gather [hbm4b:s5+s3], $0x800, $0x38;
	[tilespmem:$0xDD80] =	vst v63  }
0x24: {  	_ = 	snop  }
0x25: {  	[tilespmem:s3], [sflag:$0x2] =	stream.strided.gather [hbm4b:s6+s17], $0x2780, s18, s17, $0x38;
	[tilespmem:$0xDD80] =	vst v63  }
0x26: {  	_ =	swait.ge [sflag:s21], $0x1000  }
0x27: {  	[sflag:s21] =	ssyncset.done $0x0  }
0x28: {  	[sflag:s21] =	ssyncadd.s32 $0xFFFFF000  }
0x29: {  	[tilespmem:s22], [sflag:$0x3] =	stream.strided.gather [hbm4b:s7+s17], $0x2780, s18, s17, $0x38;
	[tilespmem:$0xDD80] =	vst v63  }
0x2a: {  	_ =	swait.ge [sflag:s23], $0x2780  }
0x2b: {  	[sflag:s23] =	ssyncset.done $0x0  }
0x2c: {  	s20 =	simm.s32 $0x9DC0;
	[sflag:s23] =	ssyncadd.s32 $0xFFFFD880  }
0x2d: {  	v0 =	vld [tilespmem:s20+$0x30]  }
0x2e: {  	v1 =	vld [tilespmem:s20+$0xFFFFFFD0]  }
0x2f: {  	v2 =	vld [tilespmem:s20+$0xFFFFFFE0]  }
0x30: {  	v3 =	vld [tilespmem:s20+$0xFFFFFFF0]  }
0x31: {  	v4 =	vld [tilespmem:s20+$0x0]  }
0x32: {  	v6 =	vld [tilespmem:s20+$0x10]  }
0x33: {  	v7 =	vld [tilespmem:s20+$0x20]  }
0x34: {  	v8 =	vld [tilespmem:s20+$0xFFFFFFC0]  }
0x35: {  	v9 =	vld.idx.msk [tilespmem:v0+s3+$0x0], $0xffff  }
0x36: {  	v10 =	vld.idx.msk [tilespmem:v1+s3+$0x0], $0xffff  }
0x37: {  	v5 =	vld.idx.msk [tilespmem:v2+s3+$0x0], $0xffff  }
0x38: {  	v3 =	vld.idx.msk [tilespmem:v3+s3+$0x0], $0xffff  }
0x39: {  	v0 =	vld.idx.msk [tilespmem:v4+s3+$0x0], $0xffff  }
0x3a: {  	s16 =	simm.s32 $0xB5C0;
	v1 =	vld.idx.msk [tilespmem:v6+s3+$0x0], $0xffff  }
0x3b: {  	v2 =	vld.idx.msk [tilespmem:v7+s3+$0x0], $0xffff;
	[tilespmem:s16+$0x30] =	vst v9  }
0x3c: {  	s2 =	simm.s32 $0x9E40;
	s20 =	simm.s32 $0x0;
	v4 =	vld.idx.msk [tilespmem:v8+s3+$0x0], $0xffff;
	[tilespmem:s16+$0xFFFFFFD0] =	vst v10  }
.LBB2_2:
0x3d: {  	v6 =	vld [tilespmem:s2+$0x30];
	s20 =	sadd.s32 $0x8, s20;
	[tilespmem:s16+$0xFFFFFFE0] =	vst v5  }
0x3e: {  	v5 =	vld [tilespmem:s2+$0xFFFFFFD0];
	p0 =	slt.u32 s20, $0xF8;
	[tilespmem:s16+$0xFFFFFFF0] =	vst v3  }
0x3f: {  	v3 =	vld [tilespmem:s2+$0xFFFFFFE0];
	[tilespmem:s16+$0x0] =	vst v0  }
0x40: {  	v0 =	vld [tilespmem:s2+$0xFFFFFFF0];
	[tilespmem:s16+$0x10] =	vst v1  }
0x41: {  	v1 =	vld [tilespmem:s2+$0x0];
	[tilespmem:s16+$0x20] =	vst v2  }
0x42: {  	v2 =	vld [tilespmem:s2+$0x10];
	[tilespmem:s16+$0xFFFFFFC0] =	vst v4  }
0x43: {  	v4 =	vld [tilespmem:s2+$0x20]  }
0x44: {  	v7 =	vld [tilespmem:s2+$0xFFFFFFC0]  }
0x45: {  	v6 =	vld.idx.msk [tilespmem:v6+s3+$0x0], $0xffff  }
0x46: {  	v8 =	vld.idx.msk [tilespmem:v5+s3+$0x0], $0xffff  }
0x47: {  	v5 =	vld.idx.msk [tilespmem:v3+s3+$0x0], $0xffff  }
.Ltmp0:
0x48: {  	v3 =	vld.idx.msk [tilespmem:v0+s3+$0x0], $0xffff;
	(pc) =	sbr.rel @p0 .LBB2_2-.Ltmp0, $4  }
0x49: {  	v0 =	vld.idx.msk [tilespmem:v1+s3+$0x0], $0xffff  }
0x4a: {  	s16 =	sadd.s32 $0x80, s16;
	v1 =	vld.idx.msk [tilespmem:v2+s3+$0x0], $0xffff  }
0x4b: {  	v2 =	vld.idx.msk [tilespmem:v4+s3+$0x0], $0xffff;
	[tilespmem:s16+$0x30] =	vst v6  }
0x4c: {  	s2 =	sadd.s32 $0x80, s2;
	v4 =	vld.idx.msk [tilespmem:v7+s3+$0x0], $0xffff;
	[tilespmem:s16+$0xFFFFFFD0] =	vst v8  }
0x4d: {  	[tilespmem:s16+$0xFFFFFFE0] =	vst v5  }
0x4e: {  	[tilespmem:s16+$0xFFFFFFF0] =	vst v3  }
0x4f: {  	[tilespmem:s16+$0x0] =	vst v0  }
0x50: {  	[tilespmem:s16+$0x10] =	vst v1  }
0x51: {  	[tilespmem:s16+$0x20] =	vst v2  }
0x52: {  	[tilespmem:s16+$0xFFFFFFC0] =	vst v4  }
0x53: {  	[hbm4b:s8+s17] =	stream.strided.scatter [tilespmem:s24], [sflag:$0x6], $0x1000, s18, s17, $0x38;
	[tilespmem:$0xDD80] =	vst v63  }
0x54: {  	_ = 	snop  }
0x55: {  	[tilespmem:s3], [sflag:$0x2] =	stream.strided.gather [hbm4b:s9+s17], $0x2780, s18, s17, $0x38;
	[tilespmem:$0xDD80] =	vst v63  }
0x56: {  	_ =	swait.ge [sflag:s25], $0x2780  }
0x57: {  	[sflag:s25] =	ssyncset.done $0x0  }
0x58: {  	s2 =	simm.s32 $0x9DC0;
	[sflag:s25] =	ssyncadd.s32 $0xFFFFD880  }
0x59: {  	v0 =	vld [tilespmem:s2+$0x30]  }
0x5a: {  	v1 =	vld [tilespmem:s2+$0xFFFFFFD0]  }
0x5b: {  	v2 =	vld [tilespmem:s2+$0xFFFFFFE0]  }
0x5c: {  	v3 =	vld [tilespmem:s2+$0xFFFFFFF0]  }
0x5d: {  	v4 =	vld [tilespmem:s2+$0x0]  }
0x5e: {  	v6 =	vld [tilespmem:s2+$0x10]  }
0x5f: {  	v7 =	vld [tilespmem:s2+$0x20]  }
0x60: {  	v8 =	vld [tilespmem:s2+$0xFFFFFFC0]  }
0x61: {  	v9 =	vld.idx.msk [tilespmem:v0+s22+$0x0], $0xffff  }
0x62: {  	v10 =	vld.idx.msk [tilespmem:v1+s22+$0x0], $0xffff  }
0x63: {  	v5 =	vld.idx.msk [tilespmem:v2+s22+$0x0], $0xffff  }
0x64: {  	v3 =	vld.idx.msk [tilespmem:v3+s22+$0x0], $0xffff  }
0x65: {  	v0 =	vld.idx.msk [tilespmem:v4+s22+$0x0], $0xffff  }
0x66: {  	s16 =	simm.s32 $0xC5C0;
	v1 =	vld.idx.msk [tilespmem:v6+s22+$0x0], $0xffff  }
0x67: {  	v2 =	vld.idx.msk [tilespmem:v7+s22+$0x0], $0xffff;
	[tilespmem:s16+$0x30] =	vst v9  }
0x68: {  	s20 =	simm.s32 $0x0;
	s2 =	simm.s32 $0x9E40;
	v4 =	vld.idx.msk [tilespmem:v8+s22+$0x0], $0xffff;
	[tilespmem:s16+$0xFFFFFFD0] =	vst v10  }
.LBB2_4:
0x69: {  	v6 =	vld [tilespmem:s2+$0x30];
	s20 =	sadd.s32 $0x8, s20;
	[tilespmem:s16+$0xFFFFFFE0] =	vst v5  }
0x6a: {  	v5 =	vld [tilespmem:s2+$0xFFFFFFD0];
	p0 =	slt.u32 s20, $0xF8;
	[tilespmem:s16+$0xFFFFFFF0] =	vst v3  }
0x6b: {  	v3 =	vld [tilespmem:s2+$0xFFFFFFE0];
	[tilespmem:s16+$0x0] =	vst v0  }
0x6c: {  	v0 =	vld [tilespmem:s2+$0xFFFFFFF0];
	[tilespmem:s16+$0x10] =	vst v1  }
0x6d: {  	v1 =	vld [tilespmem:s2+$0x0];
	[tilespmem:s16+$0x20] =	vst v2  }
0x6e: {  	v2 =	vld [tilespmem:s2+$0x10];
	[tilespmem:s16+$0xFFFFFFC0] =	vst v4  }
0x6f: {  	v4 =	vld [tilespmem:s2+$0x20]  }
0x70: {  	v7 =	vld [tilespmem:s2+$0xFFFFFFC0]  }
0x71: {  	v6 =	vld.idx.msk [tilespmem:v6+s22+$0x0], $0xffff  }
0x72: {  	v8 =	vld.idx.msk [tilespmem:v5+s22+$0x0], $0xffff  }
0x73: {  	v5 =	vld.idx.msk [tilespmem:v3+s22+$0x0], $0xffff  }
.Ltmp1:
0x74: {  	v3 =	vld.idx.msk [tilespmem:v0+s22+$0x0], $0xffff;
	(pc) =	sbr.rel @p0 .LBB2_4-.Ltmp1, $4  }
0x75: {  	v0 =	vld.idx.msk [tilespmem:v1+s22+$0x0], $0xffff  }
0x76: {  	s16 =	sadd.s32 $0x80, s16;
	v1 =	vld.idx.msk [tilespmem:v2+s22+$0x0], $0xffff  }
0x77: {  	v2 =	vld.idx.msk [tilespmem:v4+s22+$0x0], $0xffff;
	[tilespmem:s16+$0x30] =	vst v6  }
0x78: {  	s2 =	sadd.s32 $0x80, s2;
	v4 =	vld.idx.msk [tilespmem:v7+s22+$0x0], $0xffff;
	[tilespmem:s16+$0xFFFFFFD0] =	vst v8  }
0x79: {  	[tilespmem:s16+$0xFFFFFFE0] =	vst v5  }
0x7a: {  	[tilespmem:s16+$0xFFFFFFF0] =	vst v3  }
0x7b: {  	[tilespmem:s16+$0x0] =	vst v0  }
0x7c: {  	[tilespmem:s16+$0x10] =	vst v1  }
0x7d: {  	[tilespmem:s16+$0x20] =	vst v2  }
0x7e: {  	[tilespmem:s16+$0xFFFFFFC0] =	vst v4  }
0x7f: {  	[hbm4b:s10+s17] =	stream.strided.scatter [tilespmem:s26], [sflag:$0x7], $0x1000, s18, s17, $0x38;
	[tilespmem:$0xDD80] =	vst v63  }
0x80: {  	_ = 	snop  }
0x81: {  	[tilespmem:s22], [sflag:$0x3] =	stream.strided.gather [hbm4b:s11+s17], $0x2780, s18, s17, $0x38;
	[tilespmem:$0xDD80] =	vst v63  }
0x82: {  	_ =	swait.ge [sflag:s23], $0x2780  }
0x83: {  	[sflag:s23] =	ssyncset.done $0x0  }
0x84: {  	[sflag:s23] =	ssyncadd.s32 $0xFFFFD880  }
0x85: {  	_ =	swait.ge [sflag:s28], $0x1000  }
0x86: {  	[sflag:s28] =	ssyncset.done $0x0  }
0x87: {  	s2 =	simm.s32 $0x9DC0;
	[sflag:s28] =	ssyncadd.s32 $0xFFFFF000  }
0x88: {  	v0 =	vld [tilespmem:s2+$0x30]  }
0x89: {  	v1 =	vld [tilespmem:s2+$0xFFFFFFD0]  }
0x8a: {  	v2 =	vld [tilespmem:s2+$0xFFFFFFE0]  }
0x8b: {  	v3 =	vld [tilespmem:s2+$0xFFFFFFF0]  }
0x8c: {  	v4 =	vld [tilespmem:s2+$0x0]  }
0x8d: {  	v6 =	vld [tilespmem:s2+$0x10]  }
0x8e: {  	v7 =	vld [tilespmem:s2+$0x20]  }
0x8f: {  	v8 =	vld [tilespmem:s2+$0xFFFFFFC0]  }
0x90: {  	v9 =	vld.idx.msk [tilespmem:v0+s3+$0x0], $0xffff  }
0x91: {  	v10 =	vld.idx.msk [tilespmem:v1+s3+$0x0], $0xffff  }
0x92: {  	v5 =	vld.idx.msk [tilespmem:v2+s3+$0x0], $0xffff  }
0x93: {  	v3 =	vld.idx.msk [tilespmem:v3+s3+$0x0], $0xffff  }
0x94: {  	v0 =	vld.idx.msk [tilespmem:v4+s3+$0x0], $0xffff  }
0x95: {  	s16 =	simm.s32 $0xB5C0;
	v1 =	vld.idx.msk [tilespmem:v6+s3+$0x0], $0xffff  }
0x96: {  	v2 =	vld.idx.msk [tilespmem:v7+s3+$0x0], $0xffff;
	[tilespmem:s16+$0x30] =	vst v9  }
0x97: {  	s20 =	simm.s32 $0x0;
	s2 =	simm.s32 $0x9E40;
	v4 =	vld.idx.msk [tilespmem:v8+s3+$0x0], $0xffff;
	[tilespmem:s16+$0xFFFFFFD0] =	vst v10  }
.LBB2_6:
0x98: {  	v6 =	vld [tilespmem:s2+$0x30];
	s20 =	sadd.s32 $0x8, s20;
	[tilespmem:s16+$0xFFFFFFE0] =	vst v5  }
0x99: {  	v5 =	vld [tilespmem:s2+$0xFFFFFFD0];
	p0 =	slt.u32 s20, $0xF8;
	[tilespmem:s16+$0xFFFFFFF0] =	vst v3  }
0x9a: {  	v3 =	vld [tilespmem:s2+$0xFFFFFFE0];
	[tilespmem:s16+$0x0] =	vst v0  }
0x9b: {  	v0 =	vld [tilespmem:s2+$0xFFFFFFF0];
	[tilespmem:s16+$0x10] =	vst v1  }
0x9c: {  	v1 =	vld [tilespmem:s2+$0x0];
	[tilespmem:s16+$0x20] =	vst v2  }
0x9d: {  	v2 =	vld [tilespmem:s2+$0x10];
	[tilespmem:s16+$0xFFFFFFC0] =	vst v4  }
0x9e: {  	v4 =	vld [tilespmem:s2+$0x20]  }
0x9f: {  	v7 =	vld [tilespmem:s2+$0xFFFFFFC0]  }
0xa0: {  	v6 =	vld.idx.msk [tilespmem:v6+s3+$0x0], $0xffff  }
0xa1: {  	v8 =	vld.idx.msk [tilespmem:v5+s3+$0x0], $0xffff  }
0xa2: {  	v5 =	vld.idx.msk [tilespmem:v3+s3+$0x0], $0xffff  }
.Ltmp2:
0xa3: {  	v3 =	vld.idx.msk [tilespmem:v0+s3+$0x0], $0xffff;
	(pc) =	sbr.rel @p0 .LBB2_6-.Ltmp2, $4  }
0xa4: {  	v0 =	vld.idx.msk [tilespmem:v1+s3+$0x0], $0xffff  }
0xa5: {  	s16 =	sadd.s32 $0x80, s16;
	v1 =	vld.idx.msk [tilespmem:v2+s3+$0x0], $0xffff  }
0xa6: {  	v2 =	vld.idx.msk [tilespmem:v4+s3+$0x0], $0xffff;
	[tilespmem:s16+$0x30] =	vst v6  }
0xa7: {  	s2 =	sadd.s32 $0x80, s2;
	v4 =	vld.idx.msk [tilespmem:v7+s3+$0x0], $0xffff;
	[tilespmem:s16+$0xFFFFFFD0] =	vst v8  }
0xa8: {  	[tilespmem:s16+$0xFFFFFFE0] =	vst v5  }
0xa9: {  	[tilespmem:s16+$0xFFFFFFF0] =	vst v3  }
0xaa: {  	[tilespmem:s16+$0x0] =	vst v0  }
0xab: {  	[tilespmem:s16+$0x10] =	vst v1  }
0xac: {  	[tilespmem:s16+$0x20] =	vst v2  }
0xad: {  	[tilespmem:s16+$0xFFFFFFC0] =	vst v4  }
0xae: {  	[hbm4b:s12+s17] =	stream.strided.scatter [tilespmem:s24], [sflag:$0x6], $0x1000, s18, s17, $0x38;
	[tilespmem:$0xDD80] =	vst v63  }
0xaf: {  	_ =	swait.ge [sflag:s25], $0x2780  }
0xb0: {  	[sflag:s25] =	ssyncset.done $0x0  }
0xb1: {  	[sflag:s25] =	ssyncadd.s32 $0xFFFFD880  }
0xb2: {  	_ =	swait.ge [sflag:s29], $0x1000  }
0xb3: {  	[sflag:s29] =	ssyncset.done $0x0  }
0xb4: {  	s2 =	simm.s32 $0x9DC0;
	[sflag:s29] =	ssyncadd.s32 $0xFFFFF000  }
0xb5: {  	v0 =	vld [tilespmem:s2+$0x30]  }
0xb6: {  	v1 =	vld [tilespmem:s2+$0xFFFFFFD0]  }
0xb7: {  	v2 =	vld [tilespmem:s2+$0xFFFFFFE0]  }
0xb8: {  	v3 =	vld [tilespmem:s2+$0xFFFFFFF0]  }
0xb9: {  	v4 =	vld [tilespmem:s2+$0x0]  }
0xba: {  	v6 =	vld [tilespmem:s2+$0x10]  }
0xbb: {  	v7 =	vld [tilespmem:s2+$0x20]  }
0xbc: {  	v8 =	vld [tilespmem:s2+$0xFFFFFFC0]  }
0xbd: {  	v9 =	vld.idx.msk [tilespmem:v0+s22+$0x0], $0xffff  }
0xbe: {  	v10 =	vld.idx.msk [tilespmem:v1+s22+$0x0], $0xffff  }
0xbf: {  	v5 =	vld.idx.msk [tilespmem:v2+s22+$0x0], $0xffff  }
0xc0: {  	v3 =	vld.idx.msk [tilespmem:v3+s22+$0x0], $0xffff  }
0xc1: {  	v0 =	vld.idx.msk [tilespmem:v4+s22+$0x0], $0xffff  }
0xc2: {  	s16 =	simm.s32 $0xC5C0;
	v1 =	vld.idx.msk [tilespmem:v6+s22+$0x0], $0xffff  }
0xc3: {  	v2 =	vld.idx.msk [tilespmem:v7+s22+$0x0], $0xffff;
	[tilespmem:s16+$0x30] =	vst v9  }
0xc4: {  	s20 =	simm.s32 $0x0;
	s2 =	simm.s32 $0x9E40;
	v4 =	vld.idx.msk [tilespmem:v8+s22+$0x0], $0xffff;
	[tilespmem:s16+$0xFFFFFFD0] =	vst v10  }
.LBB2_8:
0xc5: {  	v6 =	vld [tilespmem:s2+$0x30];
	s20 =	sadd.s32 $0x8, s20;
	[tilespmem:s16+$0xFFFFFFE0] =	vst v5  }
0xc6: {  	v5 =	vld [tilespmem:s2+$0xFFFFFFD0];
	p0 =	slt.u32 s20, $0xF8;
	[tilespmem:s16+$0xFFFFFFF0] =	vst v3  }
0xc7: {  	v3 =	vld [tilespmem:s2+$0xFFFFFFE0];
	[tilespmem:s16+$0x0] =	vst v0  }
0xc8: {  	v0 =	vld [tilespmem:s2+$0xFFFFFFF0];
	[tilespmem:s16+$0x10] =	vst v1  }
0xc9: {  	v1 =	vld [tilespmem:s2+$0x0];
	[tilespmem:s16+$0x20] =	vst v2  }
0xca: {  	v2 =	vld [tilespmem:s2+$0x10];
	[tilespmem:s16+$0xFFFFFFC0] =	vst v4  }
0xcb: {  	v4 =	vld [tilespmem:s2+$0x20]  }
0xcc: {  	v7 =	vld [tilespmem:s2+$0xFFFFFFC0]  }
0xcd: {  	v6 =	vld.idx.msk [tilespmem:v6+s22+$0x0], $0xffff  }
0xce: {  	v8 =	vld.idx.msk [tilespmem:v5+s22+$0x0], $0xffff  }
0xcf: {  	v5 =	vld.idx.msk [tilespmem:v3+s22+$0x0], $0xffff  }
.Ltmp3:
0xd0: {  	v3 =	vld.idx.msk [tilespmem:v0+s22+$0x0], $0xffff;
	(pc) =	sbr.rel @p0 .LBB2_8-.Ltmp3, $4  }
0xd1: {  	v0 =	vld.idx.msk [tilespmem:v1+s22+$0x0], $0xffff  }
0xd2: {  	s16 =	sadd.s32 $0x80, s16;
	v1 =	vld.idx.msk [tilespmem:v2+s22+$0x0], $0xffff  }
0xd3: {  	v2 =	vld.idx.msk [tilespmem:v4+s22+$0x0], $0xffff;
	[tilespmem:s16+$0x30] =	vst v6  }
0xd4: {  	s2 =	sadd.s32 $0x80, s2;
	v4 =	vld.idx.msk [tilespmem:v7+s22+$0x0], $0xffff;
	[tilespmem:s16+$0xFFFFFFD0] =	vst v8  }
0xd5: {  	[tilespmem:s16+$0xFFFFFFE0] =	vst v5  }
0xd6: {  	[tilespmem:s16+$0xFFFFFFF0] =	vst v3  }
0xd7: {  	[tilespmem:s16+$0x0] =	vst v0  }
0xd8: {  	[tilespmem:s16+$0x10] =	vst v1  }
0xd9: {  	[tilespmem:s16+$0x20] =	vst v2  }
0xda: {  	[tilespmem:s16+$0xFFFFFFC0] =	vst v4  }
0xdb: {  	[hbm4b:s13+s17] =	stream.strided.scatter [tilespmem:s26], [sflag:$0x7], $0x1000, s18, s17, $0x38;
	[tilespmem:$0xDD80] =	vst v63  }
0xdc: {  	_ =	swait.ge [sflag:s30], $0x800  }
0xdd: {  	[sflag:s30] =	ssyncset.done $0x0  }
0xde: {  	[sflag:s30] =	ssyncadd.s32 $0xFFFFF800  }
0xdf: {  	_ =	swait.ge [sflag:s31], $0x4E80  }
0xe0: {  	[sflag:s31] =	ssyncset.done $0x0  }
0xe1: {  	s2 =	simm.s32 $0xADC0;
	[sflag:s31] =	ssyncadd.s32 $0xFFFFB180  }
0xe2: {  	v0 =	vld [tilespmem:s2+$0x30]  }
0xe3: {  	v1 =	vld [tilespmem:s2+$0xFFFFFFD0]  }
0xe4: {  	v2 =	vld [tilespmem:s2+$0xFFFFFFE0]  }
0xe5: {  	v3 =	vld [tilespmem:s2+$0xFFFFFFF0]  }
0xe6: {  	v4 =	vld [tilespmem:s2+$0x0]  }
0xe7: {  	v6 =	vld [tilespmem:s2+$0x10]  }
0xe8: {  	v7 =	vld [tilespmem:s2+$0x20]  }
0xe9: {  	v8 =	vld [tilespmem:s2+$0xFFFFFFC0]  }
0xea: {  	v9 =	vld.idx.msk [tilespmem:v0+s19+$0x0], $0xffff  }
0xeb: {  	v10 =	vld.idx.msk [tilespmem:v1+s19+$0x0], $0xffff  }
0xec: {  	v5 =	vld.idx.msk [tilespmem:v2+s19+$0x0], $0xffff  }
0xed: {  	v3 =	vld.idx.msk [tilespmem:v3+s19+$0x0], $0xffff  }
0xee: {  	v0 =	vld.idx.msk [tilespmem:v4+s19+$0x0], $0xffff  }
0xef: {  	s16 =	simm.s32 $0xD5C0;
	v1 =	vld.idx.msk [tilespmem:v6+s19+$0x0], $0xffff  }
0xf0: {  	v2 =	vld.idx.msk [tilespmem:v7+s19+$0x0], $0xffff;
	[tilespmem:s16+$0x30] =	vst v9  }
0xf1: {  	s20 =	simm.s32 $0x0;
	s2 =	simm.s32 $0xAE40;
	v4 =	vld.idx.msk [tilespmem:v8+s19+$0x0], $0xffff;
	[tilespmem:s16+$0xFFFFFFD0] =	vst v10  }
.LBB2_10:
0xf2: {  	v6 =	vld [tilespmem:s2+$0x30];
	s20 =	sadd.s32 $0x8, s20;
	[tilespmem:s16+$0xFFFFFFE0] =	vst v5  }
0xf3: {  	v5 =	vld [tilespmem:s2+$0xFFFFFFD0];
	p0 =	slt.u32 s20, $0x78;
	[tilespmem:s16+$0xFFFFFFF0] =	vst v3  }
0xf4: {  	v3 =	vld [tilespmem:s2+$0xFFFFFFE0];
	[tilespmem:s16+$0x0] =	vst v0  }
0xf5: {  	v0 =	vld [tilespmem:s2+$0xFFFFFFF0];
	[tilespmem:s16+$0x10] =	vst v1  }
0xf6: {  	v1 =	vld [tilespmem:s2+$0x0];
	[tilespmem:s16+$0x20] =	vst v2  }
0xf7: {  	v2 =	vld [tilespmem:s2+$0x10];
	[tilespmem:s16+$0xFFFFFFC0] =	vst v4  }
0xf8: {  	v4 =	vld [tilespmem:s2+$0x20]  }
0xf9: {  	v7 =	vld [tilespmem:s2+$0xFFFFFFC0]  }
0xfa: {  	v6 =	vld.idx.msk [tilespmem:v6+s19+$0x0], $0xffff  }
0xfb: {  	v8 =	vld.idx.msk [tilespmem:v5+s19+$0x0], $0xffff  }
0xfc: {  	v5 =	vld.idx.msk [tilespmem:v3+s19+$0x0], $0xffff  }
.Ltmp4:
0xfd: {  	v3 =	vld.idx.msk [tilespmem:v0+s19+$0x0], $0xffff;
	(pc) =	sbr.rel @p0 .LBB2_10-.Ltmp4, $4  }
0xfe: {  	v0 =	vld.idx.msk [tilespmem:v1+s19+$0x0], $0xffff  }
0xff: {  	s16 =	sadd.s32 $0x80, s16;
	v1 =	vld.idx.msk [tilespmem:v2+s19+$0x0], $0xffff  }
0x100: {  	v2 =	vld.idx.msk [tilespmem:v4+s19+$0x0], $0xffff;
	[tilespmem:s16+$0x30] =	vst v6  }
0x101: {  	s2 =	sadd.s32 $0x80, s2;
	v4 =	vld.idx.msk [tilespmem:v7+s19+$0x0], $0xffff;
	[tilespmem:s16+$0xFFFFFFD0] =	vst v8  }
0x102: {  	[tilespmem:s16+$0xFFFFFFE0] =	vst v5  }
0x103: {  	[tilespmem:s16+$0xFFFFFFF0] =	vst v3  }
0x104: {  	[tilespmem:s16+$0x0] =	vst v0  }
0x105: {  	[tilespmem:s16+$0x10] =	vst v1  }
0x106: {  	[tilespmem:s16+$0x20] =	vst v2  }
0x107: {  	s2 =	simm.s32 $0xD580;
	[tilespmem:s16+$0xFFFFFFC0] =	vst v4  }
0x108: {  	[hbm4b:s14+s17] =	stream.strided.scatter [tilespmem:s2], [sflag:$0x8], $0x800, s18, s17, $0x38;
	[tilespmem:$0xDD80] =	vst v63  }
0x109: {  	_ =	swait.ge [sflag:s0], $0x800  }
0x10a: {  	[sflag:s0] =	ssyncset.done $0x0  }
0x10b: {  	s1 =	sadd.s32 $0x1, s1;
	[sflag:s0] =	ssyncadd.s32 $0xFFFFF800  }
0x10c: {  	p0 =	sne.s32 s1, s15;
	_ =	swait.ge [sflag:s28], $0x1000  }
.Ltmp5:
0x10d: {  	[sflag:s28] =	ssyncset.done $0x0;
	(pc) =	sbr.rel @p0 .LBB2_1-.Ltmp5, $4  }
0x10e: {  	[sflag:s28] =	ssyncadd.s32 $0xFFFFF000  }
0x10f: {  	_ =	swait.ge [sflag:s29], $0x1000  }
0x110: {  	[sflag:s29] =	ssyncset.done $0x0  }
0x111: {  	[sflag:s29] =	ssyncadd.s32 $0xFFFFF000  }
0x112: {  	_ =	sfence.sel $0x180000  }
0x113: {  	[bflag:$0x0] =	sbarrier.arrive $0xFFFF  }
0x114: {  	_ =	strace $0x90000047  }
0x115: {  	s0 =	stileid.u32;
	[bflag:$0x2] =	sbarrier.arrive $0xFFFF  }
0x116: {  	p0 =	sne.s32 s0, $0x0;
	s0 =	rddreg [dreg:$0x5]  }
0x117: {  	s0 =	sadd.s32 @!p0 $0x100000, s0  }
0x118: {  	[sflag:s0] =	ssyncadd.tile.s32 @!p0 $0x1;
	_ =	shalt  }
.Lfunc_end2:
_tile_overlayer_lowered:
.L_overlay_start_2:
0x119: {  	(tag) =	ssettag $0x2  }
0x11a: {  	s0 =	rddreg [dreg:$0x0];
	s2 =	stileid.u32  }
0x11b: {  	s1 =	rddreg [dreg:$0x1];
	p0 =	sne.s32 s2, $0x0  }
0x11c: {  	s3 =	rddreg [dreg:$0x2];
	[bflag:$0x3] =	sbarrier.arrive $0xFFFF;
	s2 =	simm.s32 @!p0 $0x1C08  }
0x11d: {  	[timem:s3], [sflag:s2] =	dma.local @!p0 [hbm:s0], s1  }
0x11e: {  	s0 =	simm.s32 @!p0 $0x8  }
0x11f: {  	_ =	swait.ge @!p0 [sflag:s0], s1  }
0x120: {  	s1 =	ssub.s32 @!p0 $0x0, s1;
	[sflag:s0] =	ssyncset.done @!p0 $0x0  }
0x121: {  	[sflag:s0] =	ssyncadd.s32 @!p0 s1  }
0x122: {  	[bflag:$0x3] =	sbarrier.arrive $0xFFFF  }
0x123: {  	_ =	shalt  }

</sc_bundles>
